<compile_context>
chip_gen: v7x
topology: tpu7x:2x2x1
jax: 0.10.2.dev20260603
libtpu: 0.0.44.dev20260713+nightly
codegen_flags: <defaults>
</compile_context>

<pallas_src>
import functools

import jax
import jax.numpy as jnp
from jax import lax
from jax.experimental import pallas as pl
from jax.experimental.pallas import tpu as pltpu
from jax.experimental.pallas import tpu_sc as plsc

B, N, D = 2, 4096, 64
MID, OUT, S, NS = 32, 64, 8, 16
TOTAL = B * N * NS

TN1 = 512
TQ2 = 256
TQ4 = 256

def _dot(a, b):
    return jax.lax.dot_general(a.astype(jnp.bfloat16), b.astype(jnp.bfloat16),
                               (((1,), (0,)), ((), ())),
                               preferred_element_type=jnp.float32)


def _dot_t(a, b):
    return jax.lax.dot_general(a.astype(jnp.bfloat16), b.astype(jnp.bfloat16),
                               (((0,), (0,)), ((), ())),
                               preferred_element_type=jnp.float32)


def _fold_bn(p):
    s = p["w"] / jnp.sqrt(p["v"] + 1e-5)
    t = p["b"] - p["m"] * s
    return s, t


def _k1_body(pts1_ref, pts2_ref, xyz2_ref,
             w1_ref, b1_ref, s1_ref, t1_ref, w2_ref, b2_ref, s2_ref, t2_ref,
             qw_ref, qb_ref, kw_ref, kb_ref, vw_ref, vb_ref,
             p1_ref, xq_ref, tab_ref):
    pts1 = pts1_ref[0]
    pts2 = pts2_ref[0]
    z1 = _dot_t(pts1, w1_ref[...]) + b1_ref[...]
    p1 = jnp.maximum(z1 * s1_ref[...] + t1_ref[...], 0.0)
    z2 = _dot_t(pts2, w2_ref[...]) + b2_ref[...]
    p2 = jnp.maximum(z2 * s2_ref[...] + t2_ref[...], 0.0)
    p1_ref[0] = p1
    xq_ref[0] = _dot(p1, qw_ref[...]) + qb_ref[...]
    xk = _dot(p2, kw_ref[...]) + kb_ref[...]
    xv = _dot(p2, vw_ref[...]) + vb_ref[...]
    xyz2 = xyz2_ref[0]
    pad = jnp.zeros((xyz2.shape[0], 128 - MID - OUT - 3), jnp.float32)
    tab_ref[...] = jnp.concatenate([xk, xv, xyz2, pad], axis=1)


def _k2_body(xyz1_ref, xyz2t_ref, idx_ref):
    b = pl.program_id(0)
    x = xyz1_ref[0]
    yt = xyz2t_ref[0]
    x2 = jnp.sum(x * x, axis=1, keepdims=True)
    y2 = jnp.sum(yt * yt, axis=0, keepdims=True)
    d = -2.0 * _dot(x, yt) + x2 + y2
    fiota = lax.broadcasted_iota(jnp.int32, (TQ2, N), 1).astype(jnp.float32)
    big_f = jnp.float32(N)
    inf = jnp.float32(jnp.inf)
    cols = []
    for k in range(NS):
        m = jnp.min(d, axis=1, keepdims=True)
        a = jnp.min(jnp.where(d == m, fiota, big_f), axis=1,
                    keepdims=True)
        cols.append(a)
        if k + 1 < NS:
            d = jnp.where(fiota == a, inf, d)
    idx = jnp.concatenate(cols, axis=1).astype(jnp.int32)
    idx_ref[0] = idx + b * N


_SC_CHUNK = 512
_NW = 32


def _sc_gather(table, idx):
    total = idx.shape[0]
    b_per_w = total // _NW

    mesh = plsc.VectorSubcoreMesh(core_axis_name="c", subcore_axis_name="s")

    @functools.partial(
        pl.kernel,
        mesh=mesh,
        out_type=jax.ShapeDtypeStruct((total, 128), jnp.float32),
        scratch_types=[
            pltpu.VMEM((_SC_CHUNK,), jnp.int32),
            pltpu.VMEM((_SC_CHUNK, 128), jnp.float32),
            pltpu.SemaphoreType.DMA,
        ],
    )
    def gather_k(table_hbm, idx_hbm, out_hbm, idx_v, rows_v, sem):
        wid = lax.axis_index("s") * 2 + lax.axis_index("c")
        base = wid * b_per_w

        def body(i, _):
            off = base + i * _SC_CHUNK
            pltpu.sync_copy(idx_hbm.at[pl.ds(off, _SC_CHUNK)], idx_v)
            pltpu.async_copy(table_hbm.at[idx_v], rows_v, sem).wait()
            pltpu.sync_copy(rows_v, out_hbm.at[pl.ds(off, _SC_CHUNK)])
            return 0

        lax.fori_loop(0, b_per_w // _SC_CHUNK, body, 0)

    return gather_k(table, idx)


def _k4_body(g_ref, xq_ref, p1_ref, xyz1_ref,
             a0_ref, c0_ref, sp_ref, tp_ref, a1_ref, c1_ref,
             s0_ref, t0_ref, w0f_ref, b0f_ref, sw1_ref, tw1_ref,
             w1_ref, b1_ref,
             st1_ref, tt1_ref, posw_ref, posb_ref,
             m1t_ref, m1b_ref, m2t_ref, m2b_ref,
             out_ref):
    R = NS * TQ4
    g = g_ref[...].reshape(R, 128)
    gk = g[:, :MID]
    gv = g[:, MID:MID + OUT]
    gxyz = g[:, MID + OUT:MID + OUT + 3]

    def tile_ns(a):
        return jnp.broadcast_to(a[None], (NS,) + a.shape).reshape(R, a.shape[-1])

    p_r = gxyz - tile_ns(xyz1_ref[0])

    z = _dot(p_r, a0_ref[...]) + c0_ref[...]
    pf = jnp.maximum(z * sp_ref[...] + tp_ref[...], 0.0)
    p = _dot(pf, a1_ref[...]) + c1_ref[...]

    w = gk - tile_ns(xq_ref[0]) + p[:, :MID] + p[:, MID:]
    w = jnp.maximum(w * s0_ref[...] + t0_ref[...], 0.0)
    w = _dot(w, w0f_ref[...]) + b0f_ref[...]
    w = jnp.maximum(w * sw1_ref[...] + tw1_ref[...], 0.0)
    w = _dot(w, w1_ref[...]) + b1_ref[...]

    w3 = w.reshape(NS, TQ4, S)
    w3 = w3 - jnp.max(w3, axis=0, keepdims=True)
    e = jnp.exp(w3)
    rs = 1.0 / jnp.sum(e, axis=0, keepdims=True)
    wn = (e * rs).reshape(R, S)
    w64 = jnp.concatenate([wn] * (OUT // S), axis=1)

    x = (gv + p) * w64
    gp2 = jnp.maximum(x * st1_ref[...] + tt1_ref[...], 0.0)
    dxyz = _dot(p_r, posw_ref[...]) + posb_ref[...]
    new = jnp.maximum(tile_ns(p1_ref[0]) + gp2 + dxyz, 0.0)

    h = _dot(new, m1t_ref[...]) + m1b_ref[...]
    h = jnp.where(h > 0, h, 0.1 * h)
    h = _dot(h, m2t_ref[...]) + m2b_ref[...]
    h = jnp.where(h > 0, h, 0.1 * h)
    res = jnp.max(h.reshape(NS, TQ4, D), axis=0)
    out_ref[0] = res.T


def kernel(xyz1, xyz2, points1, points2, params):
    P = params
    f32 = jnp.float32

    s1, t1 = _fold_bn(P["bn1"])
    s1, t1 = s1[None, :], t1[None, :]
    s2, t2 = _fold_bn(P["bn2"])
    s2, t2 = s2[None, :], t2[None, :]
    w1u = P["ct11_w"].T
    b1u = P["ct11_b"][None, :]
    w2u = P["ct22_w"].T
    b2u = P["ct22_b"][None, :]

    sp, tp = _fold_bn(P["p_bn"])
    sp, tp = sp[None, :], tp[None, :]
    a0 = P["p0_w"].T
    c0 = P["p0_b"][None, :]
    a1 = P["p1_w"].T
    c1 = P["p1_b"][None, :]

    s0, t0 = _fold_bn(P["w_bn0"])
    s0 = s0[None, :]
    t0 = t0[None, :]
    sw1, tw1 = _fold_bn(P["w_bn1"])
    sw1, tw1 = sw1[None, :], tw1[None, :]
    w0f = P["w_l0_w"].T
    b0f = P["w_l0_b"][None, :]
    w1 = P["w_l1_w"].T
    b1 = P["w_l1_b"][None, :]

    st1, tt1 = _fold_bn(P["bn_t1"])
    st1 = st1[None, :]
    tt1 = tt1[None, :]

    posw = P["pos1_w"].T
    posb = P["pos1_b"][None, :]
    m1t = P["m1_w"].T
    m1b = P["m1_b"][None, :]
    m2t = P["m2_w"].T
    m2b = P["m2_b"][None, :]

    qw, qb = P["q_w"].T, P["q_b"][None, :]
    kw, kb = P["k_w"].T, P["k_b"][None, :]
    vw, vb = P["v_w"].T, P["v_b"][None, :]

    rep = lambda *shape: pl.BlockSpec(shape, lambda b, t: tuple(0 for _ in shape))

    p1, xq, table = pl.pallas_call(
        _k1_body,
        grid=(B, N // TN1),
        in_specs=[
            pl.BlockSpec((1, D, TN1), lambda b, t: (b, 0, t)),
            pl.BlockSpec((1, D, TN1), lambda b, t: (b, 0, t)),
            pl.BlockSpec((1, TN1, 3), lambda b, t: (b, t, 0)),
            rep(D, D), rep(1, D), rep(1, D), rep(1, D),
            rep(D, D), rep(1, D), rep(1, D), rep(1, D),
            rep(D, MID), rep(1, MID), rep(D, MID), rep(1, MID),
            rep(D, OUT), rep(1, OUT),
        ],
        out_specs=[
            pl.BlockSpec((1, TN1, D), lambda b, t: (b, t, 0)),
            pl.BlockSpec((1, TN1, MID), lambda b, t: (b, t, 0)),
            pl.BlockSpec((TN1, 128), lambda b, t: (b * (N // TN1) + t, 0)),
        ],
        out_shape=[
            jax.ShapeDtypeStruct((B, N, D), f32),
            jax.ShapeDtypeStruct((B, N, MID), f32),
            jax.ShapeDtypeStruct((B * N, 128), f32),
        ],
    )(points1, points2, xyz2, w1u, b1u, s1, t1, w2u, b2u, s2, t2,
      qw, qb, kw, kb, vw, vb)

    xyz2t = jnp.swapaxes(xyz2, 1, 2)
    NH = N // 2

    def run_half(xyz1_h, xq_h, p1_h):
        idx = pl.pallas_call(
            _k2_body,
            grid=(B, NH // TQ2),
            in_specs=[
                pl.BlockSpec((1, TQ2, 3), lambda b, t: (b, t, 0)),
                pl.BlockSpec((1, 3, N), lambda b, t: (b, 0, 0)),
            ],
            out_specs=pl.BlockSpec((1, TQ2, NS), lambda b, t: (b, t, 0)),
            out_shape=jax.ShapeDtypeStruct((B, NH, NS), jnp.int32),
        )(xyz1_h, xyz2t)

        idx_flat = jnp.transpose(idx, (2, 0, 1)).reshape(NS * B * NH)
        gathered = _sc_gather(table, idx_flat).reshape(NS, B * NH, 128)

        return pl.pallas_call(
            _k4_body,
            grid=(B, NH // TQ4),
            in_specs=[
                pl.BlockSpec((NS, TQ4, 128),
                             lambda b, t: (0, b * (NH // TQ4) + t, 0)),
                pl.BlockSpec((1, TQ4, MID), lambda b, t: (b, t, 0)),
                pl.BlockSpec((1, TQ4, D), lambda b, t: (b, t, 0)),
                pl.BlockSpec((1, TQ4, 3), lambda b, t: (b, t, 0)),
                rep(3, 3), rep(1, 3), rep(1, 3), rep(1, 3),
                rep(3, OUT), rep(1, OUT),
                rep(1, MID), rep(1, MID), rep(MID, 4), rep(1, 4),
                rep(1, 4), rep(1, 4),
                rep(4, S), rep(1, S),
                rep(1, OUT), rep(1, OUT), rep(3, OUT), rep(1, OUT),
                rep(D, D), rep(1, D), rep(D, D), rep(1, D),
            ],
            out_specs=pl.BlockSpec((1, D, TQ4), lambda b, t: (b, 0, t)),
            out_shape=jax.ShapeDtypeStruct((B, D, NH), f32),
        )(gathered, xq_h, p1_h, xyz1_h,
          a0, c0, sp, tp, a1, c1, s0, t0, w0f, b0f, sw1, tw1, w1, b1,
          st1, tt1, posw, posb, m1t, m1b, m2t, m2b)

    outs = [run_half(xyz1[:, h * NH:(h + 1) * NH],
                     xq[:, h * NH:(h + 1) * NH],
                     p1[:, h * NH:(h + 1) * NH]) for h in range(2)]
    return jnp.concatenate(outs, axis=2)

# --- scband reference (transcript-rebuilt; emitter-appended) ---
"""Pipeline reference for scband-pt-bn-cross-layer-light-25220047962586 (READ-ONLY COPY).

The authoritative reference and input builder live on the scoring server;
editing this copy changes nothing except your own understanding.
"""

import jax, jax.numpy as jnp
import numpy as np

B, N, D = 2, 4096, 64
MID, OUT, S, NS = 32, 64, 8, 16

def _bnp(c):
    return {"w": jnp.ones((c,), jnp.float32), "b": jnp.zeros((c,), jnp.float32), "m": jnp.zeros((c,), jnp.float32), "v": jnp.ones((c,), jnp.float32)}

def _bn(x, p):
    sh = [1] * x.ndim
    sh[1] = -1
    sh = tuple(sh)
    return (x - p["m"].reshape(sh)) / jnp.sqrt(p["v"].reshape(sh) + 1e-5) * p["w"].reshape(sh) + p["b"].reshape(sh)

def _gather(pts, idx):
    bidx = jnp.arange(pts.shape[0])[:, None, None]
    return pts[bidx, idx]

def setup_inputs():
    ks = jax.random.split(jax.random.key(0), 20)
    def lin(k, o, i):
        return 0.1 * jax.random.normal(k, (o, i), jnp.float32)
    params = {
        "ct11_w": lin(ks[4], D, D), "ct11_b": jnp.zeros((D,), jnp.float32),
        "ct22_w": lin(ks[5], D, D), "ct22_b": jnp.zeros((D,), jnp.float32),
        "bn1": _bnp(D), "bn2": _bnp(D), "bn_t1": _bnp(D),
        "q_w": lin(ks[6], MID, D), "q_b": jnp.zeros((MID,), jnp.float32),
        "k_w": lin(ks[7], MID, D), "k_b": jnp.zeros((MID,), jnp.float32),
        "v_w": lin(ks[8], OUT, D), "v_b": jnp.zeros((OUT,), jnp.float32),
        "p0_w": lin(ks[9], 3, 3), "p0_b": jnp.zeros((3,), jnp.float32), "p_bn": _bnp(3),
        "p1_w": lin(ks[10], OUT, 3), "p1_b": jnp.zeros((OUT,), jnp.float32),
        "w_bn0": _bnp(MID),
        "w_l0_w": lin(ks[11], MID // S, MID), "w_l0_b": jnp.zeros((MID // S,), jnp.float32),
        "w_bn1": _bnp(MID // S),
        "w_l1_w": lin(ks[12], OUT // S, MID // S), "w_l1_b": jnp.zeros((OUT // S,), jnp.float32),
        "pos1_w": lin(ks[13], D, 3), "pos1_b": jnp.zeros((D,), jnp.float32),
        "m1_w": lin(ks[14], D, D), "m1_b": jnp.zeros((D,), jnp.float32),
        "m2_w": lin(ks[15], D, D), "m2_b": jnp.zeros((D,), jnp.float32),
    }
    return {
        "xyz1": jax.random.uniform(ks[0], (B, N, 3), jnp.float32),
        "xyz2": jax.random.uniform(ks[1], (B, N, 3), jnp.float32),
        "points1": 0.1 * jax.random.normal(ks[2], (B, D, N), jnp.float32),
        "points2": 0.1 * jax.random.normal(ks[3], (B, D, N), jnp.float32),
        "params": params,
    }

def _transformer(xyz1, xyz2, p1, p2, P):
    xq = p1 @ P["q_w"].T + P["q_b"]
    xk = p2 @ P["k_w"].T + P["k_b"]
    xv = p2 @ P["v_w"].T + P["v_b"]
    dist = -2.0 * jnp.einsum("bnc,bmc->bnm", xyz1, xyz2)
    dist = dist + jnp.sum(xyz1 ** 2, -1)[..., None] + jnp.sum(xyz2 ** 2, -1)[:, None, :]
    _, idx = jax.lax.top_k(-jax.lax.stop_gradient(dist), NS)
    gxyz = _gather(xyz2, idx) - xyz1[:, :, None, :]
    gk = _gather(xk, idx)
    gv = _gather(xv, idx)
    b, n1 = xyz1.shape[0], xyz1.shape[1]
    n = b * n1
    x_q = xq.reshape(n, MID)
    p_r = gxyz.reshape(n, NS, 3)
    x_k = gk.reshape(n, NS, MID)
    x_v = gv.reshape(n, NS, OUT)
    out_p_r = p_r
    p = p_r @ P["p0_w"].T + P["p0_b"]
    p = jnp.swapaxes(_bn(jnp.swapaxes(p, 1, 2), P["p_bn"]), 1, 2)
    p = jax.nn.relu(p)
    p = p @ P["p1_w"].T + P["p1_b"]
    w = x_k - x_q[:, None, :] + p.reshape(n, NS, OUT // MID, MID).sum(2)
    w = jnp.swapaxes(_bn(jnp.swapaxes(w, 1, 2), P["w_bn0"]), 1, 2)
    w = jax.nn.relu(w)
    w = w @ P["w_l0_w"].T + P["w_l0_b"]
    w = jnp.swapaxes(_bn(jnp.swapaxes(w, 1, 2), P["w_bn1"]), 1, 2)
    w = jax.nn.relu(w)
    w = w @ P["w_l1_w"].T + P["w_l1_b"]
    w = jax.nn.softmax(w, axis=1)
    x = ((x_v + p).reshape(n, NS, S, OUT // S) * w[:, :, None, :]).reshape(n, NS, OUT)
    return x, out_p_r

def _forward(xyz1, xyz2, points1, points2, P):
    p1 = jnp.einsum("oc,bcn->bon", P["ct11_w"], points1) + P["ct11_b"][None, :, None]
    p2 = jnp.einsum("oc,bcn->bon", P["ct22_w"], points2) + P["ct22_b"][None, :, None]
    p1 = jax.nn.relu(jnp.swapaxes(_bn(p1, P["bn1"]), 1, 2))
    p2 = jax.nn.relu(jnp.swapaxes(_bn(p2, P["bn2"]), 1, 2))
    gp2, dxyz = _transformer(xyz1, xyz2, p1, p2, P)
    b, n1 = xyz1.shape[0], xyz1.shape[1]
    dxyz = dxyz.reshape(b, n1, NS, 3).transpose(0, 3, 2, 1)
    dxyz = jnp.einsum("oc,bckn->bokn", P["pos1_w"], dxyz) + P["pos1_b"][None, :, None, None]
    gp2 = jax.nn.relu(jnp.swapaxes(_bn(jnp.swapaxes(gp2, 1, 2), P["bn_t1"]), 1, 2))
    gp2 = gp2.reshape(b, n1, NS, D).transpose(0, 3, 2, 1)
    gp1 = jnp.broadcast_to(jnp.transpose(p1, (0, 2, 1))[:, :, None, :], (b, D, NS, n1))
    new = jax.nn.relu(gp1 + gp2 + dxyz)
    for wk, bk in (("m1_w", "m1_b"), ("m2_w", "m2_b")):
        new = jnp.einsum("oc,bckn->bokn", P[wk], new) + P[bk][None, :, None, None]
        new = jnp.where(new > 0, new, 0.1 * new)
    return jnp.max(new, axis=2)

def reference(xyz1, xyz2, points1, points2, params):
    return _forward(xyz1, xyz2, points1, points2, params)

if __name__ == "__main__":
    import jax
    _d = setup_inputs()
    print(jax.jit(kernel)(*tuple(_d.values())))

</pallas_src>

<mosaic_0001>
#map = affine_map<(d0, d1) -> (0, 0)>
#map1 = affine_map<(d0, d1) -> (0)>
module attributes {stable_mosaic.version = 14 : i64} {
  func.func @gather_k(%arg0: i32, %arg1: i32, %arg2: memref<8192x128xf32, #tpu.memory_space<hbm>>, %arg3: memref<65536xi32, #tpu.memory_space<hbm>>, %arg4: memref<65536x128xf32, #tpu.memory_space<hbm>>, %arg5: memref<512xi32, #tpu.memory_space<vmem>>, %arg6: memref<512x128xf32, #tpu.memory_space<vmem>>, %arg7: memref<!tpu.dma_semaphore, #tpu.memory_space<semaphore_mem>>) attributes {dimension_semantics = [#tpu.dimension_semantics<core_parallel>, #tpu.dimension_semantics<subcore_parallel>], iteration_bounds = array<i64: 2, 16>, scalar_prefetch = 0 : i64, scratch_operands = 3 : i64, tpu.core_type = #tpu.core_type<sc_vector_subcore>, window_params = [{transform_indices = #map}, {transform_indices = #map1}, {transform_indices = #map}]} {
    %mul3A = arith.constant 2 : i32
    %mul3A_0 = arith.muli %arg1, %mul3A : i32
    %add3A = arith.addi %mul3A_0, %arg0 : i32
    %mul3A_1 = arith.constant 2048 : i32
    %mul3A_2 = arith.muli %add3A, %mul3A_1 : i32
    %scan3A = arith.constant 0 : i32
    %scan3A_3 = arith.constant 0 : i32
    %scan3A_4 = arith.constant 4 : i32
    %scan3A_5 = arith.addi %scan3A_3, %scan3A_4 : i32
    %scan3A_6 = arith.constant 1 : i32
    %scan3A_7 = scf.for %scan3A_9 = %scan3A_3 to %scan3A_5 step %scan3A_6 iter_args(%scan3A_10 = %scan3A) -> (i32)  : i32 {
      %mul3A_11 = arith.constant 512 : i32
      %mul3A_12 = arith.muli %scan3A_9, %mul3A_11 : i32
      %add3A_13 = arith.addi %mul3A_2, %mul3A_12 : i32
      "tpu.region"() ({
        %run_scoped3A = tpu.sem_alloc : memref<!tpu.dma_semaphore, #tpu.memory_space<semaphore_mem>>
        %dma_start3A_19 = tpu.memref_slice %arg3[%add3A_13] : memref<65536xi32, #tpu.memory_space<hbm>> -> memref<512xi32, #tpu.memory_space<hbm>>
        %dma_start3A_20 = tpu.memref_slice %arg3[%add3A_13] : memref<65536xi32, #tpu.memory_space<hbm>> -> memref<512xi32, #tpu.memory_space<hbm>>
        tpu.enqueue_dma source(%dma_start3A_20 : memref<512xi32, #tpu.memory_space<hbm>>) target(%arg5 : memref<512xi32, #tpu.memory_space<vmem>>) target_semaphore(%run_scoped3A : memref<!tpu.dma_semaphore, #tpu.memory_space<semaphore_mem>>)
        %dma_wait3A_21 = tpu.memref_slice %arg3[%add3A_13] : memref<65536xi32, #tpu.memory_space<hbm>> -> memref<512xi32, #tpu.memory_space<hbm>>
        %dma_wait3A_22 = tpu.memref_slice %arg3[%add3A_13] : memref<65536xi32, #tpu.memory_space<hbm>> -> memref<512xi32, #tpu.memory_space<hbm>>
        tpu.wait_dma2 semaphore(%run_scoped3A : memref<!tpu.dma_semaphore, #tpu.memory_space<semaphore_mem>>) src(%dma_wait3A_22 : memref<512xi32, #tpu.memory_space<hbm>>) dst(%arg5 : memref<512xi32, #tpu.memory_space<vmem>>)
        tpu.yield
      }) : () -> ()
      %dma_start3A = arith.constant 0 : i32
      %dma_start3A_14 = arith.constant 0 : i32
      %dma_start3A_15 = tpu.memref_slice %arg2[%dma_start3A, %dma_start3A_14] : memref<8192x128xf32, #tpu.memory_space<hbm>> -> memref<8192x128xf32, #tpu.memory_space<hbm>>
      tpu.enqueue_indirect_dma source(%dma_start3A_15 : memref<8192x128xf32, #tpu.memory_space<hbm>>) target(%arg6 : memref<512x128xf32, #tpu.memory_space<vmem>>) offsets(%arg5 : memref<512xi32, #tpu.memory_space<vmem>>) semaphore(%arg7 : memref<!tpu.dma_semaphore, #tpu.memory_space<semaphore_mem>>)
      %dma_wait3A = arith.constant 0 : i32
      %dma_wait3A_16 = arith.constant 0 : i32
      %dma_wait3A_17 = tpu.memref_slice %arg2[%dma_wait3A, %dma_wait3A_16] : memref<8192x128xf32, #tpu.memory_space<hbm>> -> memref<8192x128xf32, #tpu.memory_space<hbm>>
      tpu.wait_indirect_dma semaphore(%arg7 : memref<!tpu.dma_semaphore, #tpu.memory_space<semaphore_mem>>) src(%dma_wait3A_17 : memref<8192x128xf32, #tpu.memory_space<hbm>>) dst(%arg6 : memref<512x128xf32, #tpu.memory_space<vmem>>)
      "tpu.region"() ({
        %run_scoped3A = tpu.sem_alloc : memref<!tpu.dma_semaphore, #tpu.memory_space<semaphore_mem>>
        %dma_start3A_19 = arith.constant 0 : i32
        %dma_start3A_20 = tpu.memref_slice %arg4[%add3A_13, %dma_start3A_19] : memref<65536x128xf32, #tpu.memory_space<hbm>> -> memref<512x128xf32, #tpu.memory_space<hbm>>
        %dma_start3A_21 = arith.constant 0 : i32
        %dma_start3A_22 = tpu.memref_slice %arg4[%add3A_13, %dma_start3A_21] : memref<65536x128xf32, #tpu.memory_space<hbm>> -> memref<512x128xf32, #tpu.memory_space<hbm>>
        tpu.enqueue_dma source(%arg6 : memref<512x128xf32, #tpu.memory_space<vmem>>) target(%dma_start3A_22 : memref<512x128xf32, #tpu.memory_space<hbm>>) target_semaphore(%run_scoped3A : memref<!tpu.dma_semaphore, #tpu.memory_space<semaphore_mem>>)
        %dma_wait3A_23 = arith.constant 0 : i32
        %dma_wait3A_24 = tpu.memref_slice %arg4[%add3A_13, %dma_wait3A_23] : memref<65536x128xf32, #tpu.memory_space<hbm>> -> memref<512x128xf32, #tpu.memory_space<hbm>>
        %dma_wait3A_25 = arith.constant 0 : i32
        %dma_wait3A_26 = tpu.memref_slice %arg4[%add3A_13, %dma_wait3A_25] : memref<65536x128xf32, #tpu.memory_space<hbm>> -> memref<512x128xf32, #tpu.memory_space<hbm>>
        tpu.wait_dma2 semaphore(%run_scoped3A : memref<!tpu.dma_semaphore, #tpu.memory_space<semaphore_mem>>) src(%arg6 : memref<512x128xf32, #tpu.memory_space<vmem>>) dst(%dma_wait3A_26 : memref<512x128xf32, #tpu.memory_space<hbm>>)
        tpu.yield
      }) : () -> ()
      %scan3A_18 = arith.constant 0 : i32
      scf.yield %scan3A_18 : i32
    }
    %scan3A_8 = arith.constant 4 : i32
    return
  }
}

#map = affine_map<(d0, d1) -> (0, 0)>
#map1 = affine_map<(d0, d1) -> (0)>
module attributes {stable_mosaic.version = 14 : i64} {
  func.func @gather_k(%arg0: i32, %arg1: i32, %arg2: memref<8192x128xf32, #tpu.memory_space<hbm>>, %arg3: memref<65536xi32, #tpu.memory_space<hbm>>, %arg4: memref<65536x128xf32, #tpu.memory_space<hbm>>, %arg5: memref<512xi32, #tpu.memory_space<vmem>>, %arg6: memref<512x128xf32, #tpu.memory_space<vmem>>, %arg7: memref<!tpu.dma_semaphore, #tpu.memory_space<semaphore_mem>>) attributes {dimension_semantics = [#tpu.dimension_semantics<core_parallel>, #tpu.dimension_semantics<subcore_parallel>], iteration_bounds = array<i64: 2, 16>, scalar_prefetch = 0 : i64, scratch_operands = 3 : i64, tpu.core_type = #tpu.core_type<sc_vector_subcore>, window_params = [{transform_indices = #map}, {transform_indices = #map1}, {transform_indices = #map}]} {
    %mul3A = arith.constant 2 : i32
    %mul3A_0 = arith.muli %arg1, %mul3A : i32
    %add3A = arith.addi %mul3A_0, %arg0 : i32
    %mul3A_1 = arith.constant 2048 : i32
    %mul3A_2 = arith.muli %add3A, %mul3A_1 : i32
    %scan3A = arith.constant 0 : i32
    %scan3A_3 = arith.constant 0 : i32
    %scan3A_4 = arith.constant 4 : i32
    %scan3A_5 = arith.addi %scan3A_3, %scan3A_4 : i32
    %scan3A_6 = arith.constant 1 : i32
    %scan3A_7 = scf.for %scan3A_9 = %scan3A_3 to %scan3A_5 step %scan3A_6 iter_args(%scan3A_10 = %scan3A) -> (i32)  : i32 {
      %mul3A_11 = arith.constant 512 : i32
      %mul3A_12 = arith.muli %scan3A_9, %mul3A_11 : i32
      %add3A_13 = arith.addi %mul3A_2, %mul3A_12 : i32
      "tpu.region"() ({
        %run_scoped3A = tpu.sem_alloc : memref<!tpu.dma_semaphore, #tpu.memory_space<semaphore_mem>>
        %dma_start3A_19 = tpu.memref_slice %arg3[%add3A_13] : memref<65536xi32, #tpu.memory_space<hbm>> -> memref<512xi32, #tpu.memory_space<hbm>>
        %dma_start3A_20 = tpu.memref_slice %arg3[%add3A_13] : memref<65536xi32, #tpu.memory_space<hbm>> -> memref<512xi32, #tpu.memory_space<hbm>>
        tpu.enqueue_dma source(%dma_start3A_20 : memref<512xi32, #tpu.memory_space<hbm>>) target(%arg5 : memref<512xi32, #tpu.memory_space<vmem>>) target_semaphore(%run_scoped3A : memref<!tpu.dma_semaphore, #tpu.memory_space<semaphore_mem>>)
        %dma_wait3A_21 = tpu.memref_slice %arg3[%add3A_13] : memref<65536xi32, #tpu.memory_space<hbm>> -> memref<512xi32, #tpu.memory_space<hbm>>
        %dma_wait3A_22 = tpu.memref_slice %arg3[%add3A_13] : memref<65536xi32, #tpu.memory_space<hbm>> -> memref<512xi32, #tpu.memory_space<hbm>>
        tpu.wait_dma2 semaphore(%run_scoped3A : memref<!tpu.dma_semaphore, #tpu.memory_space<semaphore_mem>>) src(%dma_wait3A_22 : memref<512xi32, #tpu.memory_space<hbm>>) dst(%arg5 : memref<512xi32, #tpu.memory_space<vmem>>)
        tpu.yield
      }) : () -> ()
      %dma_start3A = arith.constant 0 : i32
      %dma_start3A_14 = arith.constant 0 : i32
      %dma_start3A_15 = tpu.memref_slice %arg2[%dma_start3A, %dma_start3A_14] : memref<8192x128xf32, #tpu.memory_space<hbm>> -> memref<8192x128xf32, #tpu.memory_space<hbm>>
      tpu.enqueue_indirect_dma source(%dma_start3A_15 : memref<8192x128xf32, #tpu.memory_space<hbm>>) target(%arg6 : memref<512x128xf32, #tpu.memory_space<vmem>>) offsets(%arg5 : memref<512xi32, #tpu.memory_space<vmem>>) semaphore(%arg7 : memref<!tpu.dma_semaphore, #tpu.memory_space<semaphore_mem>>)
      %dma_wait3A = arith.constant 0 : i32
      %dma_wait3A_16 = arith.constant 0 : i32
      %dma_wait3A_17 = tpu.memref_slice %arg2[%dma_wait3A, %dma_wait3A_16] : memref<8192x128xf32, #tpu.memory_space<hbm>> -> memref<8192x128xf32, #tpu.memory_space<hbm>>
      tpu.wait_indirect_dma semaphore(%arg7 : memref<!tpu.dma_semaphore, #tpu.memory_space<semaphore_mem>>) src(%dma_wait3A_17 : memref<8192x128xf32, #tpu.memory_space<hbm>>) dst(%arg6 : memref<512x128xf32, #tpu.memory_space<vmem>>)
      "tpu.region"() ({
        %run_scoped3A = tpu.sem_alloc : memref<!tpu.dma_semaphore, #tpu.memory_space<semaphore_mem>>
        %dma_start3A_19 = arith.constant 0 : i32
        %dma_start3A_20 = tpu.memref_slice %arg4[%add3A_13, %dma_start3A_19] : memref<65536x128xf32, #tpu.memory_space<hbm>> -> memref<512x128xf32, #tpu.memory_space<hbm>>
        %dma_start3A_21 = arith.constant 0 : i32
        %dma_start3A_22 = tpu.memref_slice %arg4[%add3A_13, %dma_start3A_21] : memref<65536x128xf32, #tpu.memory_space<hbm>> -> memref<512x128xf32, #tpu.memory_space<hbm>>
        tpu.enqueue_dma source(%arg6 : memref<512x128xf32, #tpu.memory_space<vmem>>) target(%dma_start3A_22 : memref<512x128xf32, #tpu.memory_space<hbm>>) target_semaphore(%run_scoped3A : memref<!tpu.dma_semaphore, #tpu.memory_space<semaphore_mem>>)
        %dma_wait3A_23 = arith.constant 0 : i32
        %dma_wait3A_24 = tpu.memref_slice %arg4[%add3A_13, %dma_wait3A_23] : memref<65536x128xf32, #tpu.memory_space<hbm>> -> memref<512x128xf32, #tpu.memory_space<hbm>>
        %dma_wait3A_25 = arith.constant 0 : i32
        %dma_wait3A_26 = tpu.memref_slice %arg4[%add3A_13, %dma_wait3A_25] : memref<65536x128xf32, #tpu.memory_space<hbm>> -> memref<512x128xf32, #tpu.memory_space<hbm>>
        tpu.wait_dma2 semaphore(%run_scoped3A : memref<!tpu.dma_semaphore, #tpu.memory_space<semaphore_mem>>) src(%arg6 : memref<512x128xf32, #tpu.memory_space<vmem>>) dst(%dma_wait3A_26 : memref<512x128xf32, #tpu.memory_space<hbm>>)
        tpu.yield
      }) : () -> ()
      %scan3A_18 = arith.constant 0 : i32
      scf.yield %scan3A_18 : i32
    }
    %scan3A_8 = arith.constant 4 : i32
    return
  }
}

module attributes {stable_mosaic.version = 14 : i64} {
  func.func @_k2_body(%arg0: i32, %arg1: i32, %arg2: memref<1x256x3xf32, #tpu.memory_space<vmem>>, %arg3: memref<1x3x4096xf32, #tpu.memory_space<vmem>>, %arg4: memref<1x256x16xi32, #tpu.memory_space<vmem>>) attributes {dimension_semantics = [#tpu.dimension_semantics<arbitrary>, #tpu.dimension_semantics<arbitrary>], iteration_bounds = array<i64: 2, 8>, scalar_prefetch = 0 : i64, scratch_operands = 0 : i64, tpu.core_type = #tpu.core_type<tc>, window_params = [{transform_indices = @transform_0, window_bounds = array<i64: 1, 256, 3>}, {transform_indices = @transform_1, window_bounds = array<i64: 1, 3, 4096>}, {transform_indices = @transform_2, window_bounds = array<i64: 1, 256, 16>}]} {
    %get3A = arith.constant 0 : index
    %get3A_0 = arith.constant 0 : index
    %get3A_1 = arith.constant 0 : index
    %get3A_2 = vector.load %arg2[%get3A, %get3A_0, %get3A_1] : memref<1x256x3xf32, #tpu.memory_space<vmem>>, vector<1x256x3xf32>
    %get3A_3 = vector.shape_cast %get3A_2 : vector<1x256x3xf32> to vector<256x3xf32>
    %get3A_4 = arith.constant 0 : index
    %get3A_5 = arith.constant 0 : index
    %get3A_6 = arith.constant 0 : index
    %get3A_7 = vector.load %arg3[%get3A_4, %get3A_5, %get3A_6] : memref<1x3x4096xf32, #tpu.memory_space<vmem>>, vector<1x3x4096xf32>
    %get3A_8 = vector.shape_cast %get3A_7 : vector<1x3x4096xf32> to vector<3x4096xf32>
    %mul3A = arith.mulf %get3A_3, %get3A_3 : vector<256x3xf32>
    %reduce_sum3A = arith.constant dense<0.000000e+00> : vector<256xf32>
    %reduce_sum3A_9 = vector.multi_reduction <add>, %mul3A, %reduce_sum3A [1] : vector<256x3xf32> to vector<256xf32>
    %broadcast_in_dim3A = vector.shape_cast %reduce_sum3A_9 : vector<256xf32> to vector<256x1xf32>
    %mul3A_10 = arith.mulf %get3A_8, %get3A_8 : vector<3x4096xf32>
    %reduce_sum3A_11 = arith.constant dense<0.000000e+00> : vector<4096xf32>
    %reduce_sum3A_12 = vector.multi_reduction <add>, %mul3A_10, %reduce_sum3A_11 [0] : vector<3x4096xf32> to vector<4096xf32>
    %broadcast_in_dim3A_13 = vector.shape_cast %reduce_sum3A_12 : vector<4096xf32> to vector<1x4096xf32>
    %convert_element_type3A = arith.truncf %get3A_3 : vector<256x3xf32> to vector<256x3xbf16>
    %convert_element_type3A_14 = arith.truncf %get3A_8 : vector<3x4096xf32> to vector<3x4096xbf16>
    %dot_general3A = arith.constant dense<0.000000e+00> : vector<256x4096xf32>
    %dot_general3A_15 = tpu.matmul %convert_element_type3A, %convert_element_type3A_14, %dot_general3A {dimension_numbers = #tpu.dot_dimension_numbers<[1], [0], [0], [1], [0, 0, 1, 1], [], []>, transpose_lhs_hint = false} : vector<256x3xbf16>, vector<3x4096xbf16>, vector<256x4096xf32> -> vector<256x4096xf32>
    %mul3A_16 = arith.constant -2.000000e+00 : f32
    %mul3A_17 = vector.broadcast %mul3A_16 : f32 to vector<256x4096xf32>
    %mul3A_18 = arith.mulf %mul3A_17, %dot_general3A_15 : vector<256x4096xf32>
    %add3A = vector.broadcast %broadcast_in_dim3A : vector<256x1xf32> to vector<256x4096xf32>
    %add3A_19 = arith.addf %mul3A_18, %add3A : vector<256x4096xf32>
    %add3A_20 = vector.broadcast %broadcast_in_dim3A_13 : vector<1x4096xf32> to vector<256x4096xf32>
    %add3A_21 = arith.addf %add3A_19, %add3A_20 : vector<256x4096xf32>
    %iota3A = tpu.iota {dimensions = array<i32: 1>} : vector<256x4096xi32>
    %convert_element_type3A_22 = arith.sitofp %iota3A : vector<256x4096xi32> to vector<256x4096xf32>
    %reduce_min3A = arith.constant dense<0x7F800000> : vector<256xf32>
    %reduce_min3A_23 = vector.multi_reduction <minimumf>, %add3A_21, %reduce_min3A [1] : vector<256x4096xf32> to vector<256xf32>
    %broadcast_in_dim3A_24 = vector.shape_cast %reduce_min3A_23 : vector<256xf32> to vector<256x1xf32>
    %eq3A = vector.broadcast %broadcast_in_dim3A_24 : vector<256x1xf32> to vector<256x4096xf32>
    %eq3A_25 = arith.cmpf oeq, %add3A_21, %eq3A : vector<256x4096xf32>
    %jit3A = arith.constant 4.096000e+03 : f32
    %broadcast_in_dim3A_26 = vector.broadcast %jit3A : f32 to vector<256x4096xf32>
    %select_n3A = arith.select %eq3A_25, %convert_element_type3A_22, %broadcast_in_dim3A_26 : vector<256x4096xi1>, vector<256x4096xf32>
    %reduce_min3A_27 = arith.constant dense<0x7F800000> : vector<256xf32>
    %reduce_min3A_28 = vector.multi_reduction <minimumf>, %select_n3A, %reduce_min3A_27 [1] : vector<256x4096xf32> to vector<256xf32>
    %broadcast_in_dim3A_29 = vector.shape_cast %reduce_min3A_28 : vector<256xf32> to vector<256x1xf32>
    %eq3A_30 = vector.broadcast %broadcast_in_dim3A_29 : vector<256x1xf32> to vector<256x4096xf32>
    %eq3A_31 = arith.cmpf oeq, %convert_element_type3A_22, %eq3A_30 : vector<256x4096xf32>
    %jit3A_32 = arith.constant 0x7F800000 : f32
    %broadcast_in_dim3A_33 = vector.broadcast %jit3A_32 : f32 to vector<256x4096xf32>
    %select_n3A_34 = arith.select %eq3A_31, %broadcast_in_dim3A_33, %add3A_21 : vector<256x4096xi1>, vector<256x4096xf32>
    %reduce_min3A_35 = arith.constant dense<0x7F800000> : vector<256xf32>
    %reduce_min3A_36 = vector.multi_reduction <minimumf>, %select_n3A_34, %reduce_min3A_35 [1] : vector<256x4096xf32> to vector<256xf32>
    %broadcast_in_dim3A_37 = vector.shape_cast %reduce_min3A_36 : vector<256xf32> to vector<256x1xf32>
    %eq3A_38 = vector.broadcast %broadcast_in_dim3A_37 : vector<256x1xf32> to vector<256x4096xf32>
    %eq3A_39 = arith.cmpf oeq, %select_n3A_34, %eq3A_38 : vector<256x4096xf32>
    %jit3A_40 = arith.constant 4.096000e+03 : f32
    %broadcast_in_dim3A_41 = vector.broadcast %jit3A_40 : f32 to vector<256x4096xf32>
    %select_n3A_42 = arith.select %eq3A_39, %convert_element_type3A_22, %broadcast_in_dim3A_41 : vector<256x4096xi1>, vector<256x4096xf32>
    %reduce_min3A_43 = arith.constant dense<0x7F800000> : vector<256xf32>
    %reduce_min3A_44 = vector.multi_reduction <minimumf>, %select_n3A_42, %reduce_min3A_43 [1] : vector<256x4096xf32> to vector<256xf32>
    %broadcast_in_dim3A_45 = vector.shape_cast %reduce_min3A_44 : vector<256xf32> to vector<256x1xf32>
    %eq3A_46 = vector.broadcast %broadcast_in_dim3A_45 : vector<256x1xf32> to vector<256x4096xf32>
    %eq3A_47 = arith.cmpf oeq, %convert_element_type3A_22, %eq3A_46 : vector<256x4096xf32>
    %jit3A_48 = arith.constant 0x7F800000 : f32
    %broadcast_in_dim3A_49 = vector.broadcast %jit3A_48 : f32 to vector<256x4096xf32>
    %select_n3A_50 = arith.select %eq3A_47, %broadcast_in_dim3A_49, %select_n3A_34 : vector<256x4096xi1>, vector<256x4096xf32>
    %reduce_min3A_51 = arith.constant dense<0x7F800000> : vector<256xf32>
    %reduce_min3A_52 = vector.multi_reduction <minimumf>, %select_n3A_50, %reduce_min3A_51 [1] : vector<256x4096xf32> to vector<256xf32>
    %broadcast_in_dim3A_53 = vector.shape_cast %reduce_min3A_52 : vector<256xf32> to vector<256x1xf32>
    %eq3A_54 = vector.broadcast %broadcast_in_dim3A_53 : vector<256x1xf32> to vector<256x4096xf32>
    %eq3A_55 = arith.cmpf oeq, %select_n3A_50, %eq3A_54 : vector<256x4096xf32>
    %jit3A_56 = arith.constant 4.096000e+03 : f32
    %broadcast_in_dim3A_57 = vector.broadcast %jit3A_56 : f32 to vector<256x4096xf32>
    %select_n3A_58 = arith.select %eq3A_55, %convert_element_type3A_22, %broadcast_in_dim3A_57 : vector<256x4096xi1>, vector<256x4096xf32>
    %reduce_min3A_59 = arith.constant dense<0x7F800000> : vector<256xf32>
    %reduce_min3A_60 = vector.multi_reduction <minimumf>, %select_n3A_58, %reduce_min3A_59 [1] : vector<256x4096xf32> to vector<256xf32>
    %broadcast_in_dim3A_61 = vector.shape_cast %reduce_min3A_60 : vector<256xf32> to vector<256x1xf32>
    %eq3A_62 = vector.broadcast %broadcast_in_dim3A_61 : vector<256x1xf32> to vector<256x4096xf32>
    %eq3A_63 = arith.cmpf oeq, %convert_element_type3A_22, %eq3A_62 : vector<256x4096xf32>
    %jit3A_64 = arith.constant 0x7F800000 : f32
    %broadcast_in_dim3A_65 = vector.broadcast %jit3A_64 : f32 to vector<256x4096xf32>
    %select_n3A_66 = arith.select %eq3A_63, %broadcast_in_dim3A_65, %select_n3A_50 : vector<256x4096xi1>, vector<256x4096xf32>
    %reduce_min3A_67 = arith.constant dense<0x7F800000> : vector<256xf32>
    %reduce_min3A_68 = vector.multi_reduction <minimumf>, %select_n3A_66, %reduce_min3A_67 [1] : vector<256x4096xf32> to vector<256xf32>
    %broadcast_in_dim3A_69 = vector.shape_cast %reduce_min3A_68 : vector<256xf32> to vector<256x1xf32>
    %eq3A_70 = vector.broadcast %broadcast_in_dim3A_69 : vector<256x1xf32> to vector<256x4096xf32>
    %eq3A_71 = arith.cmpf oeq, %select_n3A_66, %eq3A_70 : vector<256x4096xf32>
    %jit3A_72 = arith.constant 4.096000e+03 : f32
    %broadcast_in_dim3A_73 = vector.broadcast %jit3A_72 : f32 to vector<256x4096xf32>
    %select_n3A_74 = arith.select %eq3A_71, %convert_element_type3A_22, %broadcast_in_dim3A_73 : vector<256x4096xi1>, vector<256x4096xf32>
    %reduce_min3A_75 = arith.constant dense<0x7F800000> : vector<256xf32>
    %reduce_min3A_76 = vector.multi_reduction <minimumf>, %select_n3A_74, %reduce_min3A_75 [1] : vector<256x4096xf32> to vector<256xf32>
    %broadcast_in_dim3A_77 = vector.shape_cast %reduce_min3A_76 : vector<256xf32> to vector<256x1xf32>
    %eq3A_78 = vector.broadcast %broadcast_in_dim3A_77 : vector<256x1xf32> to vector<256x4096xf32>
    %eq3A_79 = arith.cmpf oeq, %convert_element_type3A_22, %eq3A_78 : vector<256x4096xf32>
    %jit3A_80 = arith.constant 0x7F800000 : f32
    %broadcast_in_dim3A_81 = vector.broadcast %jit3A_80 : f32 to vector<256x4096xf32>
    %select_n3A_82 = arith.select %eq3A_79, %broadcast_in_dim3A_81, %select_n3A_66 : vector<256x4096xi1>, vector<256x4096xf32>
    %reduce_min3A_83 = arith.constant dense<0x7F800000> : vector<256xf32>
    %reduce_min3A_84 = vector.multi_reduction <minimumf>, %select_n3A_82, %reduce_min3A_83 [1] : vector<256x4096xf32> to vector<256xf32>
    %broadcast_in_dim3A_85 = vector.shape_cast %reduce_min3A_84 : vector<256xf32> to vector<256x1xf32>
    %eq3A_86 = vector.broadcast %broadcast_in_dim3A_85 : vector<256x1xf32> to vector<256x4096xf32>
    %eq3A_87 = arith.cmpf oeq, %select_n3A_82, %eq3A_86 : vector<256x4096xf32>
    %jit3A_88 = arith.constant 4.096000e+03 : f32
    %broadcast_in_dim3A_89 = vector.broadcast %jit3A_88 : f32 to vector<256x4096xf32>
    %select_n3A_90 = arith.select %eq3A_87, %convert_element_type3A_22, %broadcast_in_dim3A_89 : vector<256x4096xi1>, vector<256x4096xf32>
    %reduce_min3A_91 = arith.constant dense<0x7F800000> : vector<256xf32>
    %reduce_min3A_92 = vector.multi_reduction <minimumf>, %select_n3A_90, %reduce_min3A_91 [1] : vector<256x4096xf32> to vector<256xf32>
    %broadcast_in_dim3A_93 = vector.shape_cast %reduce_min3A_92 : vector<256xf32> to vector<256x1xf32>
    %eq3A_94 = vector.broadcast %broadcast_in_dim3A_93 : vector<256x1xf32> to vector<256x4096xf32>
    %eq3A_95 = arith.cmpf oeq, %convert_element_type3A_22, %eq3A_94 : vector<256x4096xf32>
    %jit3A_96 = arith.constant 0x7F800000 : f32
    %broadcast_in_dim3A_97 = vector.broadcast %jit3A_96 : f32 to vector<256x4096xf32>
    %select_n3A_98 = arith.select %eq3A_95, %broadcast_in_dim3A_97, %select_n3A_82 : vector<256x4096xi1>, vector<256x4096xf32>
    %reduce_min3A_99 = arith.constant dense<0x7F800000> : vector<256xf32>
    %reduce_min3A_100 = vector.multi_reduction <minimumf>, %select_n3A_98, %reduce_min3A_99 [1] : vector<256x4096xf32> to vector<256xf32>
    %broadcast_in_dim3A_101 = vector.shape_cast %reduce_min3A_100 : vector<256xf32> to vector<256x1xf32>
    %eq3A_102 = vector.broadcast %broadcast_in_dim3A_101 : vector<256x1xf32> to vector<256x4096xf32>
    %eq3A_103 = arith.cmpf oeq, %select_n3A_98, %eq3A_102 : vector<256x4096xf32>
    %jit3A_104 = arith.constant 4.096000e+03 : f32
    %broadcast_in_dim3A_105 = vector.broadcast %jit3A_104 : f32 to vector<256x4096xf32>
    %select_n3A_106 = arith.select %eq3A_103, %convert_element_type3A_22, %broadcast_in_dim3A_105 : vector<256x4096xi1>, vector<256x4096xf32>
    %reduce_min3A_107 = arith.constant dense<0x7F800000> : vector<256xf32>
    %reduce_min3A_108 = vector.multi_reduction <minimumf>, %select_n3A_106, %reduce_min3A_107 [1] : vector<256x4096xf32> to vector<256xf32>
    %broadcast_in_dim3A_109 = vector.shape_cast %reduce_min3A_108 : vector<256xf32> to vector<256x1xf32>
    %eq3A_110 = vector.broadcast %broadcast_in_dim3A_109 : vector<256x1xf32> to vector<256x4096xf32>
    %eq3A_111 = arith.cmpf oeq, %convert_element_type3A_22, %eq3A_110 : vector<256x4096xf32>
    %jit3A_112 = arith.constant 0x7F800000 : f32
    %broadcast_in_dim3A_113 = vector.broadcast %jit3A_112 : f32 to vector<256x4096xf32>
    %select_n3A_114 = arith.select %eq3A_111, %broadcast_in_dim3A_113, %select_n3A_98 : vector<256x4096xi1>, vector<256x4096xf32>
    %reduce_min3A_115 = arith.constant dense<0x7F800000> : vector<256xf32>
    %reduce_min3A_116 = vector.multi_reduction <minimumf>, %select_n3A_114, %reduce_min3A_115 [1] : vector<256x4096xf32> to vector<256xf32>
    %broadcast_in_dim3A_117 = vector.shape_cast %reduce_min3A_116 : vector<256xf32> to vector<256x1xf32>
    %eq3A_118 = vector.broadcast %broadcast_in_dim3A_117 : vector<256x1xf32> to vector<256x4096xf32>
    %eq3A_119 = arith.cmpf oeq, %select_n3A_114, %eq3A_118 : vector<256x4096xf32>
    %jit3A_120 = arith.constant 4.096000e+03 : f32
    %broadcast_in_dim3A_121 = vector.broadcast %jit3A_120 : f32 to vector<256x4096xf32>
    %select_n3A_122 = arith.select %eq3A_119, %convert_element_type3A_22, %broadcast_in_dim3A_121 : vector<256x4096xi1>, vector<256x4096xf32>
    %reduce_min3A_123 = arith.constant dense<0x7F800000> : vector<256xf32>
    %reduce_min3A_124 = vector.multi_reduction <minimumf>, %select_n3A_122, %reduce_min3A_123 [1] : vector<256x4096xf32> to vector<256xf32>
    %broadcast_in_dim3A_125 = vector.shape_cast %reduce_min3A_124 : vector<256xf32> to vector<256x1xf32>
    %eq3A_126 = vector.broadcast %broadcast_in_dim3A_125 : vector<256x1xf32> to vector<256x4096xf32>
    %eq3A_127 = arith.cmpf oeq, %convert_element_type3A_22, %eq3A_126 : vector<256x4096xf32>
    %jit3A_128 = arith.constant 0x7F800000 : f32
    %broadcast_in_dim3A_129 = vector.broadcast %jit3A_128 : f32 to vector<256x4096xf32>
    %select_n3A_130 = arith.select %eq3A_127, %broadcast_in_dim3A_129, %select_n3A_114 : vector<256x4096xi1>, vector<256x4096xf32>
    %reduce_min3A_131 = arith.constant dense<0x7F800000> : vector<256xf32>
    %reduce_min3A_132 = vector.multi_reduction <minimumf>, %select_n3A_130, %reduce_min3A_131 [1] : vector<256x4096xf32> to vector<256xf32>
    %broadcast_in_dim3A_133 = vector.shape_cast %reduce_min3A_132 : vector<256xf32> to vector<256x1xf32>
    %eq3A_134 = vector.broadcast %broadcast_in_dim3A_133 : vector<256x1xf32> to vector<256x4096xf32>
    %eq3A_135 = arith.cmpf oeq, %select_n3A_130, %eq3A_134 : vector<256x4096xf32>
    %jit3A_136 = arith.constant 4.096000e+03 : f32
    %broadcast_in_dim3A_137 = vector.broadcast %jit3A_136 : f32 to vector<256x4096xf32>
    %select_n3A_138 = arith.select %eq3A_135, %convert_element_type3A_22, %broadcast_in_dim3A_137 : vector<256x4096xi1>, vector<256x4096xf32>
    %reduce_min3A_139 = arith.constant dense<0x7F800000> : vector<256xf32>
    %reduce_min3A_140 = vector.multi_reduction <minimumf>, %select_n3A_138, %reduce_min3A_139 [1] : vector<256x4096xf32> to vector<256xf32>
    %broadcast_in_dim3A_141 = vector.shape_cast %reduce_min3A_140 : vector<256xf32> to vector<256x1xf32>
    %eq3A_142 = vector.broadcast %broadcast_in_dim3A_141 : vector<256x1xf32> to vector<256x4096xf32>
    %eq3A_143 = arith.cmpf oeq, %convert_element_type3A_22, %eq3A_142 : vector<256x4096xf32>
    %jit3A_144 = arith.constant 0x7F800000 : f32
    %broadcast_in_dim3A_145 = vector.broadcast %jit3A_144 : f32 to vector<256x4096xf32>
    %select_n3A_146 = arith.select %eq3A_143, %broadcast_in_dim3A_145, %select_n3A_130 : vector<256x4096xi1>, vector<256x4096xf32>
    %reduce_min3A_147 = arith.constant dense<0x7F800000> : vector<256xf32>
    %reduce_min3A_148 = vector.multi_reduction <minimumf>, %select_n3A_146, %reduce_min3A_147 [1] : vector<256x4096xf32> to vector<256xf32>
    %broadcast_in_dim3A_149 = vector.shape_cast %reduce_min3A_148 : vector<256xf32> to vector<256x1xf32>
    %eq3A_150 = vector.broadcast %broadcast_in_dim3A_149 : vector<256x1xf32> to vector<256x4096xf32>
    %eq3A_151 = arith.cmpf oeq, %select_n3A_146, %eq3A_150 : vector<256x4096xf32>
    %jit3A_152 = arith.constant 4.096000e+03 : f32
    %broadcast_in_dim3A_153 = vector.broadcast %jit3A_152 : f32 to vector<256x4096xf32>
    %select_n3A_154 = arith.select %eq3A_151, %convert_element_type3A_22, %broadcast_in_dim3A_153 : vector<256x4096xi1>, vector<256x4096xf32>
    %reduce_min3A_155 = arith.constant dense<0x7F800000> : vector<256xf32>
    %reduce_min3A_156 = vector.multi_reduction <minimumf>, %select_n3A_154, %reduce_min3A_155 [1] : vector<256x4096xf32> to vector<256xf32>
    %broadcast_in_dim3A_157 = vector.shape_cast %reduce_min3A_156 : vector<256xf32> to vector<256x1xf32>
    %eq3A_158 = vector.broadcast %broadcast_in_dim3A_157 : vector<256x1xf32> to vector<256x4096xf32>
    %eq3A_159 = arith.cmpf oeq, %convert_element_type3A_22, %eq3A_158 : vector<256x4096xf32>
    %jit3A_160 = arith.constant 0x7F800000 : f32
    %broadcast_in_dim3A_161 = vector.broadcast %jit3A_160 : f32 to vector<256x4096xf32>
    %select_n3A_162 = arith.select %eq3A_159, %broadcast_in_dim3A_161, %select_n3A_146 : vector<256x4096xi1>, vector<256x4096xf32>
    %reduce_min3A_163 = arith.constant dense<0x7F800000> : vector<256xf32>
    %reduce_min3A_164 = vector.multi_reduction <minimumf>, %select_n3A_162, %reduce_min3A_163 [1] : vector<256x4096xf32> to vector<256xf32>
    %broadcast_in_dim3A_165 = vector.shape_cast %reduce_min3A_164 : vector<256xf32> to vector<256x1xf32>
    %eq3A_166 = vector.broadcast %broadcast_in_dim3A_165 : vector<256x1xf32> to vector<256x4096xf32>
    %eq3A_167 = arith.cmpf oeq, %select_n3A_162, %eq3A_166 : vector<256x4096xf32>
    %jit3A_168 = arith.constant 4.096000e+03 : f32
    %broadcast_in_dim3A_169 = vector.broadcast %jit3A_168 : f32 to vector<256x4096xf32>
    %select_n3A_170 = arith.select %eq3A_167, %convert_element_type3A_22, %broadcast_in_dim3A_169 : vector<256x4096xi1>, vector<256x4096xf32>
    %reduce_min3A_171 = arith.constant dense<0x7F800000> : vector<256xf32>
    %reduce_min3A_172 = vector.multi_reduction <minimumf>, %select_n3A_170, %reduce_min3A_171 [1] : vector<256x4096xf32> to vector<256xf32>
    %broadcast_in_dim3A_173 = vector.shape_cast %reduce_min3A_172 : vector<256xf32> to vector<256x1xf32>
    %eq3A_174 = vector.broadcast %broadcast_in_dim3A_173 : vector<256x1xf32> to vector<256x4096xf32>
    %eq3A_175 = arith.cmpf oeq, %convert_element_type3A_22, %eq3A_174 : vector<256x4096xf32>
    %jit3A_176 = arith.constant 0x7F800000 : f32
    %broadcast_in_dim3A_177 = vector.broadcast %jit3A_176 : f32 to vector<256x4096xf32>
    %select_n3A_178 = arith.select %eq3A_175, %broadcast_in_dim3A_177, %select_n3A_162 : vector<256x4096xi1>, vector<256x4096xf32>
    %reduce_min3A_179 = arith.constant dense<0x7F800000> : vector<256xf32>
    %reduce_min3A_180 = vector.multi_reduction <minimumf>, %select_n3A_178, %reduce_min3A_179 [1] : vector<256x4096xf32> to vector<256xf32>
    %broadcast_in_dim3A_181 = vector.shape_cast %reduce_min3A_180 : vector<256xf32> to vector<256x1xf32>
    %eq3A_182 = vector.broadcast %broadcast_in_dim3A_181 : vector<256x1xf32> to vector<256x4096xf32>
    %eq3A_183 = arith.cmpf oeq, %select_n3A_178, %eq3A_182 : vector<256x4096xf32>
    %jit3A_184 = arith.constant 4.096000e+03 : f32
    %broadcast_in_dim3A_185 = vector.broadcast %jit3A_184 : f32 to vector<256x4096xf32>
    %select_n3A_186 = arith.select %eq3A_183, %convert_element_type3A_22, %broadcast_in_dim3A_185 : vector<256x4096xi1>, vector<256x4096xf32>
    %reduce_min3A_187 = arith.constant dense<0x7F800000> : vector<256xf32>
    %reduce_min3A_188 = vector.multi_reduction <minimumf>, %select_n3A_186, %reduce_min3A_187 [1] : vector<256x4096xf32> to vector<256xf32>
    %broadcast_in_dim3A_189 = vector.shape_cast %reduce_min3A_188 : vector<256xf32> to vector<256x1xf32>
    %eq3A_190 = vector.broadcast %broadcast_in_dim3A_189 : vector<256x1xf32> to vector<256x4096xf32>
    %eq3A_191 = arith.cmpf oeq, %convert_element_type3A_22, %eq3A_190 : vector<256x4096xf32>
    %jit3A_192 = arith.constant 0x7F800000 : f32
    %broadcast_in_dim3A_193 = vector.broadcast %jit3A_192 : f32 to vector<256x4096xf32>
    %select_n3A_194 = arith.select %eq3A_191, %broadcast_in_dim3A_193, %select_n3A_178 : vector<256x4096xi1>, vector<256x4096xf32>
    %reduce_min3A_195 = arith.constant dense<0x7F800000> : vector<256xf32>
    %reduce_min3A_196 = vector.multi_reduction <minimumf>, %select_n3A_194, %reduce_min3A_195 [1] : vector<256x4096xf32> to vector<256xf32>
    %broadcast_in_dim3A_197 = vector.shape_cast %reduce_min3A_196 : vector<256xf32> to vector<256x1xf32>
    %eq3A_198 = vector.broadcast %broadcast_in_dim3A_197 : vector<256x1xf32> to vector<256x4096xf32>
    %eq3A_199 = arith.cmpf oeq, %select_n3A_194, %eq3A_198 : vector<256x4096xf32>
    %jit3A_200 = arith.constant 4.096000e+03 : f32
    %broadcast_in_dim3A_201 = vector.broadcast %jit3A_200 : f32 to vector<256x4096xf32>
    %select_n3A_202 = arith.select %eq3A_199, %convert_element_type3A_22, %broadcast_in_dim3A_201 : vector<256x4096xi1>, vector<256x4096xf32>
    %reduce_min3A_203 = arith.constant dense<0x7F800000> : vector<256xf32>
    %reduce_min3A_204 = vector.multi_reduction <minimumf>, %select_n3A_202, %reduce_min3A_203 [1] : vector<256x4096xf32> to vector<256xf32>
    %broadcast_in_dim3A_205 = vector.shape_cast %reduce_min3A_204 : vector<256xf32> to vector<256x1xf32>
    %eq3A_206 = vector.broadcast %broadcast_in_dim3A_205 : vector<256x1xf32> to vector<256x4096xf32>
    %eq3A_207 = arith.cmpf oeq, %convert_element_type3A_22, %eq3A_206 : vector<256x4096xf32>
    %jit3A_208 = arith.constant 0x7F800000 : f32
    %broadcast_in_dim3A_209 = vector.broadcast %jit3A_208 : f32 to vector<256x4096xf32>
    %select_n3A_210 = arith.select %eq3A_207, %broadcast_in_dim3A_209, %select_n3A_194 : vector<256x4096xi1>, vector<256x4096xf32>
    %reduce_min3A_211 = arith.constant dense<0x7F800000> : vector<256xf32>
    %reduce_min3A_212 = vector.multi_reduction <minimumf>, %select_n3A_210, %reduce_min3A_211 [1] : vector<256x4096xf32> to vector<256xf32>
    %broadcast_in_dim3A_213 = vector.shape_cast %reduce_min3A_212 : vector<256xf32> to vector<256x1xf32>
    %eq3A_214 = vector.broadcast %broadcast_in_dim3A_213 : vector<256x1xf32> to vector<256x4096xf32>
    %eq3A_215 = arith.cmpf oeq, %select_n3A_210, %eq3A_214 : vector<256x4096xf32>
    %jit3A_216 = arith.constant 4.096000e+03 : f32
    %broadcast_in_dim3A_217 = vector.broadcast %jit3A_216 : f32 to vector<256x4096xf32>
    %select_n3A_218 = arith.select %eq3A_215, %convert_element_type3A_22, %broadcast_in_dim3A_217 : vector<256x4096xi1>, vector<256x4096xf32>
    %reduce_min3A_219 = arith.constant dense<0x7F800000> : vector<256xf32>
    %reduce_min3A_220 = vector.multi_reduction <minimumf>, %select_n3A_218, %reduce_min3A_219 [1] : vector<256x4096xf32> to vector<256xf32>
    %broadcast_in_dim3A_221 = vector.shape_cast %reduce_min3A_220 : vector<256xf32> to vector<256x1xf32>
    %eq3A_222 = vector.broadcast %broadcast_in_dim3A_221 : vector<256x1xf32> to vector<256x4096xf32>
    %eq3A_223 = arith.cmpf oeq, %convert_element_type3A_22, %eq3A_222 : vector<256x4096xf32>
    %jit3A_224 = arith.constant 0x7F800000 : f32
    %broadcast_in_dim3A_225 = vector.broadcast %jit3A_224 : f32 to vector<256x4096xf32>
    %select_n3A_226 = arith.select %eq3A_223, %broadcast_in_dim3A_225, %select_n3A_210 : vector<256x4096xi1>, vector<256x4096xf32>
    %reduce_min3A_227 = arith.constant dense<0x7F800000> : vector<256xf32>
    %reduce_min3A_228 = vector.multi_reduction <minimumf>, %select_n3A_226, %reduce_min3A_227 [1] : vector<256x4096xf32> to vector<256xf32>
    %broadcast_in_dim3A_229 = vector.shape_cast %reduce_min3A_228 : vector<256xf32> to vector<256x1xf32>
    %eq3A_230 = vector.broadcast %broadcast_in_dim3A_229 : vector<256x1xf32> to vector<256x4096xf32>
    %eq3A_231 = arith.cmpf oeq, %select_n3A_226, %eq3A_230 : vector<256x4096xf32>
    %jit3A_232 = arith.constant 4.096000e+03 : f32
    %broadcast_in_dim3A_233 = vector.broadcast %jit3A_232 : f32 to vector<256x4096xf32>
    %select_n3A_234 = arith.select %eq3A_231, %convert_element_type3A_22, %broadcast_in_dim3A_233 : vector<256x4096xi1>, vector<256x4096xf32>
    %reduce_min3A_235 = arith.constant dense<0x7F800000> : vector<256xf32>
    %reduce_min3A_236 = vector.multi_reduction <minimumf>, %select_n3A_234, %reduce_min3A_235 [1] : vector<256x4096xf32> to vector<256xf32>
    %broadcast_in_dim3A_237 = vector.shape_cast %reduce_min3A_236 : vector<256xf32> to vector<256x1xf32>
    %eq3A_238 = vector.broadcast %broadcast_in_dim3A_237 : vector<256x1xf32> to vector<256x4096xf32>
    %eq3A_239 = arith.cmpf oeq, %convert_element_type3A_22, %eq3A_238 : vector<256x4096xf32>
    %jit3A_240 = arith.constant 0x7F800000 : f32
    %broadcast_in_dim3A_241 = vector.broadcast %jit3A_240 : f32 to vector<256x4096xf32>
    %select_n3A_242 = arith.select %eq3A_239, %broadcast_in_dim3A_241, %select_n3A_226 : vector<256x4096xi1>, vector<256x4096xf32>
    %reduce_min3A_243 = arith.constant dense<0x7F800000> : vector<256xf32>
    %reduce_min3A_244 = vector.multi_reduction <minimumf>, %select_n3A_242, %reduce_min3A_243 [1] : vector<256x4096xf32> to vector<256xf32>
    %broadcast_in_dim3A_245 = vector.shape_cast %reduce_min3A_244 : vector<256xf32> to vector<256x1xf32>
    %eq3A_246 = vector.broadcast %broadcast_in_dim3A_245 : vector<256x1xf32> to vector<256x4096xf32>
    %eq3A_247 = arith.cmpf oeq, %select_n3A_242, %eq3A_246 : vector<256x4096xf32>
    %jit3A_248 = arith.constant 4.096000e+03 : f32
    %broadcast_in_dim3A_249 = vector.broadcast %jit3A_248 : f32 to vector<256x4096xf32>
    %select_n3A_250 = arith.select %eq3A_247, %convert_element_type3A_22, %broadcast_in_dim3A_249 : vector<256x4096xi1>, vector<256x4096xf32>
    %reduce_min3A_251 = arith.constant dense<0x7F800000> : vector<256xf32>
    %reduce_min3A_252 = vector.multi_reduction <minimumf>, %select_n3A_250, %reduce_min3A_251 [1] : vector<256x4096xf32> to vector<256xf32>
    %broadcast_in_dim3A_253 = vector.shape_cast %reduce_min3A_252 : vector<256xf32> to vector<256x1xf32>
    %eq3A_254 = vector.broadcast %broadcast_in_dim3A_253 : vector<256x1xf32> to vector<256x4096xf32>
    %eq3A_255 = arith.cmpf oeq, %convert_element_type3A_22, %eq3A_254 : vector<256x4096xf32>
    %jit3A_256 = arith.constant 0x7F800000 : f32
    %broadcast_in_dim3A_257 = vector.broadcast %jit3A_256 : f32 to vector<256x4096xf32>
    %select_n3A_258 = arith.select %eq3A_255, %broadcast_in_dim3A_257, %select_n3A_242 : vector<256x4096xi1>, vector<256x4096xf32>
    %reduce_min3A_259 = arith.constant dense<0x7F800000> : vector<256xf32>
    %reduce_min3A_260 = vector.multi_reduction <minimumf>, %select_n3A_258, %reduce_min3A_259 [1] : vector<256x4096xf32> to vector<256xf32>
    %broadcast_in_dim3A_261 = vector.shape_cast %reduce_min3A_260 : vector<256xf32> to vector<256x1xf32>
    %eq3A_262 = vector.broadcast %broadcast_in_dim3A_261 : vector<256x1xf32> to vector<256x4096xf32>
    %eq3A_263 = arith.cmpf oeq, %select_n3A_258, %eq3A_262 : vector<256x4096xf32>
    %jit3A_264 = arith.constant 4.096000e+03 : f32
    %broadcast_in_dim3A_265 = vector.broadcast %jit3A_264 : f32 to vector<256x4096xf32>
    %select_n3A_266 = arith.select %eq3A_263, %convert_element_type3A_22, %broadcast_in_dim3A_265 : vector<256x4096xi1>, vector<256x4096xf32>
    %reduce_min3A_267 = arith.constant dense<0x7F800000> : vector<256xf32>
    %reduce_min3A_268 = vector.multi_reduction <minimumf>, %select_n3A_266, %reduce_min3A_267 [1] : vector<256x4096xf32> to vector<256xf32>
    %broadcast_in_dim3A_269 = vector.shape_cast %reduce_min3A_268 : vector<256xf32> to vector<256x1xf32>
    %concatenate3A = tpu.concatenate %broadcast_in_dim3A_29, %broadcast_in_dim3A_45, %broadcast_in_dim3A_61, %broadcast_in_dim3A_77, %broadcast_in_dim3A_93, %broadcast_in_dim3A_109, %broadcast_in_dim3A_125, %broadcast_in_dim3A_141, %broadcast_in_dim3A_157, %broadcast_in_dim3A_173, %broadcast_in_dim3A_189, %broadcast_in_dim3A_205, %broadcast_in_dim3A_221, %broadcast_in_dim3A_237, %broadcast_in_dim3A_253, %broadcast_in_dim3A_269 in 1 : vector<256x1xf32>, vector<256x1xf32>, vector<256x1xf32>, vector<256x1xf32>, vector<256x1xf32>, vector<256x1xf32>, vector<256x1xf32>, vector<256x1xf32>, vector<256x1xf32>, vector<256x1xf32>, vector<256x1xf32>, vector<256x1xf32>, vector<256x1xf32>, vector<256x1xf32>, vector<256x1xf32>, vector<256x1xf32> -> vector<256x16xf32>
    %convert_element_type3A_270 = arith.fptosi %concatenate3A : vector<256x16xf32> to vector<256x16xi32>
    %mul3A_271 = arith.constant 4096 : i32
    %mul3A_272 = arith.muli %arg0, %mul3A_271 : i32
    %add3A_273 = vector.broadcast %mul3A_272 : i32 to vector<256x16xi32>
    %add3A_274 = arith.addi %convert_element_type3A_270, %add3A_273 : vector<256x16xi32>
    %swap3A = arith.constant 0 : index
    %swap3A_275 = arith.constant 0 : index
    %swap3A_276 = arith.constant 0 : index
    %swap3A_277 = vector.load %arg4[%swap3A, %swap3A_275, %swap3A_276] : memref<1x256x16xi32, #tpu.memory_space<vmem>>, vector<1x256x16xi32>
    %swap3A_278 = vector.shape_cast %swap3A_277 : vector<1x256x16xi32> to vector<256x16xi32>
    %swap3A_279 = vector.shape_cast %add3A_274 : vector<256x16xi32> to vector<1x256x16xi32>
    tpu.vector_store %arg4[%swap3A, %swap3A_275, %swap3A_276], %swap3A_279 {strides = array<i32>} : memref<1x256x16xi32, #tpu.memory_space<vmem>>, vector<1x256x16xi32>,
    return
  }
  func.func @transform_0(%arg0: i32, %arg1: i32) -> (i32, i32, i32) {
    %c0_i32 = arith.constant 0 : i32
    %c0_i32_0 = arith.constant 0 : i32
    return %arg0, %arg1, %c0_i32 : i32, i32, i32
  }
  func.func @transform_1(%arg0: i32, %arg1: i32) -> (i32, i32, i32) {
    %c0_i32 = arith.constant 0 : i32
    %c0_i32_0 = arith.constant 0 : i32
    %c0_i32_1 = arith.constant 0 : i32
    return %arg0, %c0_i32, %c0_i32_0 : i32, i32, i32
  }
  func.func @transform_2(%arg0: i32, %arg1: i32) -> (i32, i32, i32) {
    %c0_i32 = arith.constant 0 : i32
    %c0_i32_0 = arith.constant 0 : i32
    return %arg0, %arg1, %c0_i32 : i32, i32, i32
  }
}

module attributes {stable_mosaic.version = 14 : i64} {
  func.func @_k1_body(%arg0: i32, %arg1: i32, %arg2: memref<1x64x512xf32, #tpu.memory_space<vmem>>, %arg3: memref<1x64x512xf32, #tpu.memory_space<vmem>>, %arg4: memref<1x512x3xf32, #tpu.memory_space<vmem>>, %arg5: memref<64x64xf32, #tpu.memory_space<vmem>>, %arg6: memref<1x64xf32, #tpu.memory_space<vmem>>, %arg7: memref<1x64xf32, #tpu.memory_space<vmem>>, %arg8: memref<1x64xf32, #tpu.memory_space<vmem>>, %arg9: memref<64x64xf32, #tpu.memory_space<vmem>>, %arg10: memref<1x64xf32, #tpu.memory_space<vmem>>, %arg11: memref<1x64xf32, #tpu.memory_space<vmem>>, %arg12: memref<1x64xf32, #tpu.memory_space<vmem>>, %arg13: memref<64x32xf32, #tpu.memory_space<vmem>>, %arg14: memref<1x32xf32, #tpu.memory_space<vmem>>, %arg15: memref<64x32xf32, #tpu.memory_space<vmem>>, %arg16: memref<1x32xf32, #tpu.memory_space<vmem>>, %arg17: memref<64x64xf32, #tpu.memory_space<vmem>>, %arg18: memref<1x64xf32, #tpu.memory_space<vmem>>, %arg19: memref<1x512x64xf32, #tpu.memory_space<vmem>>, %arg20: memref<1x512x32xf32, #tpu.memory_space<vmem>>, %arg21: memref<512x128xf32, #tpu.memory_space<vmem>>) attributes {dimension_semantics = [#tpu.dimension_semantics<arbitrary>, #tpu.dimension_semantics<arbitrary>], iteration_bounds = array<i64: 2, 8>, scalar_prefetch = 0 : i64, scratch_operands = 0 : i64, tpu.core_type = #tpu.core_type<tc>, window_params = [{transform_indices = @transform_0, window_bounds = array<i64: 1, 64, 512>}, {transform_indices = @transform_1, window_bounds = array<i64: 1, 64, 512>}, {transform_indices = @transform_2, window_bounds = array<i64: 1, 512, 3>}, {pipeline_mode = #tpu.pipeline_mode<synchronous>, transform_indices = @transform_3, window_bounds = array<i64: 64, 64>}, {pipeline_mode = #tpu.pipeline_mode<synchronous>, transform_indices = @transform_4, window_bounds = array<i64: 1, 64>}, {pipeline_mode = #tpu.pipeline_mode<synchronous>, transform_indices = @transform_5, window_bounds = array<i64: 1, 64>}, {pipeline_mode = #tpu.pipeline_mode<synchronous>, transform_indices = @transform_6, window_bounds = array<i64: 1, 64>}, {pipeline_mode = #tpu.pipeline_mode<synchronous>, transform_indices = @transform_7, window_bounds = array<i64: 64, 64>}, {pipeline_mode = #tpu.pipeline_mode<synchronous>, transform_indices = @transform_8, window_bounds = array<i64: 1, 64>}, {pipeline_mode = #tpu.pipeline_mode<synchronous>, transform_indices = @transform_9, window_bounds = array<i64: 1, 64>}, {pipeline_mode = #tpu.pipeline_mode<synchronous>, transform_indices = @transform_10, window_bounds = array<i64: 1, 64>}, {pipeline_mode = #tpu.pipeline_mode<synchronous>, transform_indices = @transform_11, window_bounds = array<i64: 64, 32>}, {pipeline_mode = #tpu.pipeline_mode<synchronous>, transform_indices = @transform_12, window_bounds = array<i64: 1, 32>}, {pipeline_mode = #tpu.pipeline_mode<synchronous>, transform_indices = @transform_13, window_bounds = array<i64: 64, 32>}, {pipeline_mode = #tpu.pipeline_mode<synchronous>, transform_indices = @transform_14, window_bounds = array<i64: 1, 32>}, {pipeline_mode = #tpu.pipeline_mode<synchronous>, transform_indices = @transform_15, window_bounds = array<i64: 64, 64>}, {pipeline_mode = #tpu.pipeline_mode<synchronous>, transform_indices = @transform_16, window_bounds = array<i64: 1, 64>}, {transform_indices = @transform_17, window_bounds = array<i64: 1, 512, 64>}, {transform_indices = @transform_18, window_bounds = array<i64: 1, 512, 32>}, {transform_indices = @transform_19, window_bounds = array<i64: 512, 128>}]} {
    %get3A = arith.constant 0 : index
    %get3A_0 = arith.constant 0 : index
    %get3A_1 = arith.constant 0 : index
    %get3A_2 = vector.load %arg2[%get3A, %get3A_0, %get3A_1] : memref<1x64x512xf32, #tpu.memory_space<vmem>>, vector<1x64x512xf32>
    %get3A_3 = vector.shape_cast %get3A_2 : vector<1x64x512xf32> to vector<64x512xf32>
    %get3A_4 = arith.constant 0 : index
    %get3A_5 = arith.constant 0 : index
    %get3A_6 = arith.constant 0 : index
    %get3A_7 = vector.load %arg3[%get3A_4, %get3A_5, %get3A_6] : memref<1x64x512xf32, #tpu.memory_space<vmem>>, vector<1x64x512xf32>
    %get3A_8 = vector.shape_cast %get3A_7 : vector<1x64x512xf32> to vector<64x512xf32>
    %get3A_9 = arith.constant 0 : index
    %get3A_10 = arith.constant 0 : index
    %get3A_11 = vector.load %arg5[%get3A_9, %get3A_10] : memref<64x64xf32, #tpu.memory_space<vmem>>, vector<64x64xf32>
    %convert_element_type3A = arith.truncf %get3A_3 : vector<64x512xf32> to vector<64x512xbf16>
    %convert_element_type3A_12 = arith.truncf %get3A_11 : vector<64x64xf32> to vector<64x64xbf16>
    %dot_general3A = arith.constant dense<0.000000e+00> : vector<512x64xf32>
    %dot_general3A_13 = tpu.matmul %convert_element_type3A, %convert_element_type3A_12, %dot_general3A {dimension_numbers = #tpu.dot_dimension_numbers<[0], [0], [1], [1], [0, 1, 1, 1], [], []>, transpose_lhs_hint = false} : vector<64x512xbf16>, vector<64x64xbf16>, vector<512x64xf32> -> vector<512x64xf32>
    %get3A_14 = arith.constant 0 : index
    %get3A_15 = arith.constant 0 : index
    %get3A_16 = vector.load %arg6[%get3A_14, %get3A_15] : memref<1x64xf32, #tpu.memory_space<vmem>>, vector<1x64xf32>
    %add3A = vector.broadcast %get3A_16 : vector<1x64xf32> to vector<512x64xf32>
    %add3A_17 = arith.addf %dot_general3A_13, %add3A : vector<512x64xf32>
    %get3A_18 = arith.constant 0 : index
    %get3A_19 = arith.constant 0 : index
    %get3A_20 = vector.load %arg7[%get3A_18, %get3A_19] : memref<1x64xf32, #tpu.memory_space<vmem>>, vector<1x64xf32>
    %mul3A = vector.broadcast %get3A_20 : vector<1x64xf32> to vector<512x64xf32>
    %mul3A_21 = arith.mulf %add3A_17, %mul3A : vector<512x64xf32>
    %get3A_22 = arith.constant 0 : index
    %get3A_23 = arith.constant 0 : index
    %get3A_24 = vector.load %arg8[%get3A_22, %get3A_23] : memref<1x64xf32, #tpu.memory_space<vmem>>, vector<1x64xf32>
    %add3A_25 = vector.broadcast %get3A_24 : vector<1x64xf32> to vector<512x64xf32>
    %add3A_26 = arith.addf %mul3A_21, %add3A_25 : vector<512x64xf32>
    %max3A = arith.constant 0.000000e+00 : f32
    %max3A_27 = vector.broadcast %max3A : f32 to vector<512x64xf32>
    %max3A_28 = arith.maximumf %add3A_26, %max3A_27 : vector<512x64xf32>
    %get3A_29 = arith.constant 0 : index
    %get3A_30 = arith.constant 0 : index
    %get3A_31 = vector.load %arg9[%get3A_29, %get3A_30] : memref<64x64xf32, #tpu.memory_space<vmem>>, vector<64x64xf32>
    %convert_element_type3A_32 = arith.truncf %get3A_8 : vector<64x512xf32> to vector<64x512xbf16>
    %convert_element_type3A_33 = arith.truncf %get3A_31 : vector<64x64xf32> to vector<64x64xbf16>
    %dot_general3A_34 = arith.constant dense<0.000000e+00> : vector<512x64xf32>
    %dot_general3A_35 = tpu.matmul %convert_element_type3A_32, %convert_element_type3A_33, %dot_general3A_34 {dimension_numbers = #tpu.dot_dimension_numbers<[0], [0], [1], [1], [0, 1, 1, 1], [], []>, transpose_lhs_hint = false} : vector<64x512xbf16>, vector<64x64xbf16>, vector<512x64xf32> -> vector<512x64xf32>
    %get3A_36 = arith.constant 0 : index
    %get3A_37 = arith.constant 0 : index
    %get3A_38 = vector.load %arg10[%get3A_36, %get3A_37] : memref<1x64xf32, #tpu.memory_space<vmem>>, vector<1x64xf32>
    %add3A_39 = vector.broadcast %get3A_38 : vector<1x64xf32> to vector<512x64xf32>
    %add3A_40 = arith.addf %dot_general3A_35, %add3A_39 : vector<512x64xf32>
    %get3A_41 = arith.constant 0 : index
    %get3A_42 = arith.constant 0 : index
    %get3A_43 = vector.load %arg11[%get3A_41, %get3A_42] : memref<1x64xf32, #tpu.memory_space<vmem>>, vector<1x64xf32>
    %mul3A_44 = vector.broadcast %get3A_43 : vector<1x64xf32> to vector<512x64xf32>
    %mul3A_45 = arith.mulf %add3A_40, %mul3A_44 : vector<512x64xf32>
    %get3A_46 = arith.constant 0 : index
    %get3A_47 = arith.constant 0 : index
    %get3A_48 = vector.load %arg12[%get3A_46, %get3A_47] : memref<1x64xf32, #tpu.memory_space<vmem>>, vector<1x64xf32>
    %add3A_49 = vector.broadcast %get3A_48 : vector<1x64xf32> to vector<512x64xf32>
    %add3A_50 = arith.addf %mul3A_45, %add3A_49 : vector<512x64xf32>
    %max3A_51 = arith.constant 0.000000e+00 : f32
    %max3A_52 = vector.broadcast %max3A_51 : f32 to vector<512x64xf32>
    %max3A_53 = arith.maximumf %add3A_50, %max3A_52 : vector<512x64xf32>
    %swap3A = arith.constant 0 : index
    %swap3A_54 = arith.constant 0 : index
    %swap3A_55 = arith.constant 0 : index
    %swap3A_56 = vector.load %arg19[%swap3A, %swap3A_54, %swap3A_55] : memref<1x512x64xf32, #tpu.memory_space<vmem>>, vector<1x512x64xf32>
    %swap3A_57 = vector.shape_cast %swap3A_56 : vector<1x512x64xf32> to vector<512x64xf32>
    %swap3A_58 = vector.shape_cast %max3A_28 : vector<512x64xf32> to vector<1x512x64xf32>
    tpu.vector_store %arg19[%swap3A, %swap3A_54, %swap3A_55], %swap3A_58 {strides = array<i32>} : memref<1x512x64xf32, #tpu.memory_space<vmem>>, vector<1x512x64xf32>,
    %get3A_59 = arith.constant 0 : index
    %get3A_60 = arith.constant 0 : index
    %get3A_61 = vector.load %arg13[%get3A_59, %get3A_60] : memref<64x32xf32, #tpu.memory_space<vmem>>, vector<64x32xf32>
    %convert_element_type3A_62 = arith.truncf %max3A_28 : vector<512x64xf32> to vector<512x64xbf16>
    %convert_element_type3A_63 = arith.truncf %get3A_61 : vector<64x32xf32> to vector<64x32xbf16>
    %dot_general3A_64 = arith.constant dense<0.000000e+00> : vector<512x32xf32>
    %dot_general3A_65 = tpu.matmul %convert_element_type3A_62, %convert_element_type3A_63, %dot_general3A_64 {dimension_numbers = #tpu.dot_dimension_numbers<[1], [0], [0], [1], [0, 0, 1, 1], [], []>, transpose_lhs_hint = false} : vector<512x64xbf16>, vector<64x32xbf16>, vector<512x32xf32> -> vector<512x32xf32>
    %get3A_66 = arith.constant 0 : index
    %get3A_67 = arith.constant 0 : index
    %get3A_68 = vector.load %arg14[%get3A_66, %get3A_67] : memref<1x32xf32, #tpu.memory_space<vmem>>, vector<1x32xf32>
    %add3A_69 = vector.broadcast %get3A_68 : vector<1x32xf32> to vector<512x32xf32>
    %add3A_70 = arith.addf %dot_general3A_65, %add3A_69 : vector<512x32xf32>
    %swap3A_71 = arith.constant 0 : index
    %swap3A_72 = arith.constant 0 : index
    %swap3A_73 = arith.constant 0 : index
    %swap3A_74 = vector.load %arg20[%swap3A_71, %swap3A_72, %swap3A_73] : memref<1x512x32xf32, #tpu.memory_space<vmem>>, vector<1x512x32xf32>
    %swap3A_75 = vector.shape_cast %swap3A_74 : vector<1x512x32xf32> to vector<512x32xf32>
    %swap3A_76 = vector.shape_cast %add3A_70 : vector<512x32xf32> to vector<1x512x32xf32>
    tpu.vector_store %arg20[%swap3A_71, %swap3A_72, %swap3A_73], %swap3A_76 {strides = array<i32>} : memref<1x512x32xf32, #tpu.memory_space<vmem>>, vector<1x512x32xf32>,
    %get3A_77 = arith.constant 0 : index
    %get3A_78 = arith.constant 0 : index
    %get3A_79 = vector.load %arg15[%get3A_77, %get3A_78] : memref<64x32xf32, #tpu.memory_space<vmem>>, vector<64x32xf32>
    %convert_element_type3A_80 = arith.truncf %max3A_53 : vector<512x64xf32> to vector<512x64xbf16>
    %convert_element_type3A_81 = arith.truncf %get3A_79 : vector<64x32xf32> to vector<64x32xbf16>
    %dot_general3A_82 = arith.constant dense<0.000000e+00> : vector<512x32xf32>
    %dot_general3A_83 = tpu.matmul %convert_element_type3A_80, %convert_element_type3A_81, %dot_general3A_82 {dimension_numbers = #tpu.dot_dimension_numbers<[1], [0], [0], [1], [0, 0, 1, 1], [], []>, transpose_lhs_hint = false} : vector<512x64xbf16>, vector<64x32xbf16>, vector<512x32xf32> -> vector<512x32xf32>
    %get3A_84 = arith.constant 0 : index
    %get3A_85 = arith.constant 0 : index
    %get3A_86 = vector.load %arg16[%get3A_84, %get3A_85] : memref<1x32xf32, #tpu.memory_space<vmem>>, vector<1x32xf32>
    %add3A_87 = vector.broadcast %get3A_86 : vector<1x32xf32> to vector<512x32xf32>
    %add3A_88 = arith.addf %dot_general3A_83, %add3A_87 : vector<512x32xf32>
    %get3A_89 = arith.constant 0 : index
    %get3A_90 = arith.constant 0 : index
    %get3A_91 = vector.load %arg17[%get3A_89, %get3A_90] : memref<64x64xf32, #tpu.memory_space<vmem>>, vector<64x64xf32>
    %convert_element_type3A_92 = arith.truncf %max3A_53 : vector<512x64xf32> to vector<512x64xbf16>
    %convert_element_type3A_93 = arith.truncf %get3A_91 : vector<64x64xf32> to vector<64x64xbf16>
    %dot_general3A_94 = arith.constant dense<0.000000e+00> : vector<512x64xf32>
    %dot_general3A_95 = tpu.matmul %convert_element_type3A_92, %convert_element_type3A_93, %dot_general3A_94 {dimension_numbers = #tpu.dot_dimension_numbers<[1], [0], [0], [1], [0, 0, 1, 1], [], []>, transpose_lhs_hint = false} : vector<512x64xbf16>, vector<64x64xbf16>, vector<512x64xf32> -> vector<512x64xf32>
    %get3A_96 = arith.constant 0 : index
    %get3A_97 = arith.constant 0 : index
    %get3A_98 = vector.load %arg18[%get3A_96, %get3A_97] : memref<1x64xf32, #tpu.memory_space<vmem>>, vector<1x64xf32>
    %add3A_99 = vector.broadcast %get3A_98 : vector<1x64xf32> to vector<512x64xf32>
    %add3A_100 = arith.addf %dot_general3A_95, %add3A_99 : vector<512x64xf32>
    %get3A_101 = arith.constant 0 : index
    %get3A_102 = arith.constant 0 : index
    %get3A_103 = arith.constant 0 : index
    %get3A_104 = vector.load %arg4[%get3A_101, %get3A_102, %get3A_103] : memref<1x512x3xf32, #tpu.memory_space<vmem>>, vector<1x512x3xf32>
    %get3A_105 = vector.shape_cast %get3A_104 : vector<1x512x3xf32> to vector<512x3xf32>
    %broadcast_in_dim3A = arith.constant 0.000000e+00 : f32
    %broadcast_in_dim3A_106 = vector.broadcast %broadcast_in_dim3A : f32 to vector<512x29xf32>
    %concatenate3A = tpu.concatenate %add3A_88, %add3A_100, %get3A_105, %broadcast_in_dim3A_106 in 1 : vector<512x32xf32>, vector<512x64xf32>, vector<512x3xf32>, vector<512x29xf32> -> vector<512x128xf32>
    %swap3A_107 = arith.constant 0 : index
    %swap3A_108 = arith.constant 0 : index
    %swap3A_109 = vector.load %arg21[%swap3A_107, %swap3A_108] : memref<512x128xf32, #tpu.memory_space<vmem>>, vector<512x128xf32>
    tpu.vector_store %arg21[%swap3A_107, %swap3A_108], %concatenate3A {strides = array<i32>} : memref<512x128xf32, #tpu.memory_space<vmem>>, vector<512x128xf32>,
    return
  }
  func.func @transform_0(%arg0: i32, %arg1: i32) -> (i32, i32, i32) {
    %c0_i32 = arith.constant 0 : i32
    %c0_i32_0 = arith.constant 0 : i32
    return %arg0, %c0_i32, %arg1 : i32, i32, i32
  }
  func.func @transform_1(%arg0: i32, %arg1: i32) -> (i32, i32, i32) {
    %c0_i32 = arith.constant 0 : i32
    %c0_i32_0 = arith.constant 0 : i32
    return %arg0, %c0_i32, %arg1 : i32, i32, i32
  }
  func.func @transform_2(%arg0: i32, %arg1: i32) -> (i32, i32, i32) {
    %c0_i32 = arith.constant 0 : i32
    %c0_i32_0 = arith.constant 0 : i32
    return %arg0, %arg1, %c0_i32 : i32, i32, i32
  }
  func.func @transform_3(%arg0: i32, %arg1: i32) -> (i32, i32) {
    %c0_i32 = arith.constant 0 : i32
    %c0_i32_0 = arith.constant 0 : i32
    %c0_i32_1 = arith.constant 0 : i32
    return %c0_i32, %c0_i32_0 : i32, i32
  }
  func.func @transform_4(%arg0: i32, %arg1: i32) -> (i32, i32) {
    %c0_i32 = arith.constant 0 : i32
    %c0_i32_0 = arith.constant 0 : i32
    %c0_i32_1 = arith.constant 0 : i32
    return %c0_i32, %c0_i32_0 : i32, i32
  }
  func.func @transform_5(%arg0: i32, %arg1: i32) -> (i32, i32) {
    %c0_i32 = arith.constant 0 : i32
    %c0_i32_0 = arith.constant 0 : i32
    %c0_i32_1 = arith.constant 0 : i32
    return %c0_i32, %c0_i32_0 : i32, i32
  }
  func.func @transform_6(%arg0: i32, %arg1: i32) -> (i32, i32) {
    %c0_i32 = arith.constant 0 : i32
    %c0_i32_0 = arith.constant 0 : i32
    %c0_i32_1 = arith.constant 0 : i32
    return %c0_i32, %c0_i32_0 : i32, i32
  }
  func.func @transform_7(%arg0: i32, %arg1: i32) -> (i32, i32) {
    %c0_i32 = arith.constant 0 : i32
    %c0_i32_0 = arith.constant 0 : i32
    %c0_i32_1 = arith.constant 0 : i32
    return %c0_i32, %c0_i32_0 : i32, i32
  }
  func.func @transform_8(%arg0: i32, %arg1: i32) -> (i32, i32) {
    %c0_i32 = arith.constant 0 : i32
    %c0_i32_0 = arith.constant 0 : i32
    %c0_i32_1 = arith.constant 0 : i32
    return %c0_i32, %c0_i32_0 : i32, i32
  }
  func.func @transform_9(%arg0: i32, %arg1: i32) -> (i32, i32) {
    %c0_i32 = arith.constant 0 : i32
    %c0_i32_0 = arith.constant 0 : i32
    %c0_i32_1 = arith.constant 0 : i32
    return %c0_i32, %c0_i32_0 : i32, i32
  }
  func.func @transform_10(%arg0: i32, %arg1: i32) -> (i32, i32) {
    %c0_i32 = arith.constant 0 : i32
    %c0_i32_0 = arith.constant 0 : i32
    %c0_i32_1 = arith.constant 0 : i32
    return %c0_i32, %c0_i32_0 : i32, i32
  }
  func.func @transform_11(%arg0: i32, %arg1: i32) -> (i32, i32) {
    %c0_i32 = arith.constant 0 : i32
    %c0_i32_0 = arith.constant 0 : i32
    %c0_i32_1 = arith.constant 0 : i32
    return %c0_i32, %c0_i32_0 : i32, i32
  }
  func.func @transform_12(%arg0: i32, %arg1: i32) -> (i32, i32) {
    %c0_i32 = arith.constant 0 : i32
    %c0_i32_0 = arith.constant 0 : i32
    %c0_i32_1 = arith.constant 0 : i32
    return %c0_i32, %c0_i32_0 : i32, i32
  }
  func.func @transform_13(%arg0: i32, %arg1: i32) -> (i32, i32) {
    %c0_i32 = arith.constant 0 : i32
    %c0_i32_0 = arith.constant 0 : i32
    %c0_i32_1 = arith.constant 0 : i32
    return %c0_i32, %c0_i32_0 : i32, i32
  }
  func.func @transform_14(%arg0: i32, %arg1: i32) -> (i32, i32) {
    %c0_i32 = arith.constant 0 : i32
    %c0_i32_0 = arith.constant 0 : i32
    %c0_i32_1 = arith.constant 0 : i32
    return %c0_i32, %c0_i32_0 : i32, i32
  }
  func.func @transform_15(%arg0: i32, %arg1: i32) -> (i32, i32) {
    %c0_i32 = arith.constant 0 : i32
    %c0_i32_0 = arith.constant 0 : i32
    %c0_i32_1 = arith.constant 0 : i32
    return %c0_i32, %c0_i32_0 : i32, i32
  }
  func.func @transform_16(%arg0: i32, %arg1: i32) -> (i32, i32) {
    %c0_i32 = arith.constant 0 : i32
    %c0_i32_0 = arith.constant 0 : i32
    %c0_i32_1 = arith.constant 0 : i32
    return %c0_i32, %c0_i32_0 : i32, i32
  }
  func.func @transform_17(%arg0: i32, %arg1: i32) -> (i32, i32, i32) {
    %c0_i32 = arith.constant 0 : i32
    %c0_i32_0 = arith.constant 0 : i32
    return %arg0, %arg1, %c0_i32 : i32, i32, i32
  }
  func.func @transform_18(%arg0: i32, %arg1: i32) -> (i32, i32, i32) {
    %c0_i32 = arith.constant 0 : i32
    %c0_i32_0 = arith.constant 0 : i32
    return %arg0, %arg1, %c0_i32 : i32, i32, i32
  }
  func.func @transform_19(%arg0: i32, %arg1: i32) -> (i32, i32) {
    %mul3A = arith.constant 8 : i32
    %mul3A_0 = arith.muli %arg0, %mul3A : i32
    %add3A = arith.addi %mul3A_0, %arg1 : i32
    %c0_i32 = arith.constant 0 : i32
    %c0_i32_1 = arith.constant 0 : i32
    return %add3A, %c0_i32 : i32, i32
  }
}

module attributes {stable_mosaic.version = 14 : i64} {
  func.func @_k4_body(%arg0: i32, %arg1: i32, %arg2: memref<16x256x128xf32, #tpu.memory_space<vmem>>, %arg3: memref<1x256x32xf32, #tpu.memory_space<vmem>>, %arg4: memref<1x256x64xf32, #tpu.memory_space<vmem>>, %arg5: memref<1x256x3xf32, #tpu.memory_space<vmem>>, %arg6: memref<3x3xf32, #tpu.memory_space<vmem>>, %arg7: memref<1x3xf32, #tpu.memory_space<vmem>>, %arg8: memref<1x3xf32, #tpu.memory_space<vmem>>, %arg9: memref<1x3xf32, #tpu.memory_space<vmem>>, %arg10: memref<3x64xf32, #tpu.memory_space<vmem>>, %arg11: memref<1x64xf32, #tpu.memory_space<vmem>>, %arg12: memref<1x32xf32, #tpu.memory_space<vmem>>, %arg13: memref<1x32xf32, #tpu.memory_space<vmem>>, %arg14: memref<32x4xf32, #tpu.memory_space<vmem>>, %arg15: memref<1x4xf32, #tpu.memory_space<vmem>>, %arg16: memref<1x4xf32, #tpu.memory_space<vmem>>, %arg17: memref<1x4xf32, #tpu.memory_space<vmem>>, %arg18: memref<4x8xf32, #tpu.memory_space<vmem>>, %arg19: memref<1x8xf32, #tpu.memory_space<vmem>>, %arg20: memref<1x64xf32, #tpu.memory_space<vmem>>, %arg21: memref<1x64xf32, #tpu.memory_space<vmem>>, %arg22: memref<3x64xf32, #tpu.memory_space<vmem>>, %arg23: memref<1x64xf32, #tpu.memory_space<vmem>>, %arg24: memref<64x64xf32, #tpu.memory_space<vmem>>, %arg25: memref<1x64xf32, #tpu.memory_space<vmem>>, %arg26: memref<64x64xf32, #tpu.memory_space<vmem>>, %arg27: memref<1x64xf32, #tpu.memory_space<vmem>>, %arg28: memref<1x64x256xf32, #tpu.memory_space<vmem>>) attributes {dimension_semantics = [#tpu.dimension_semantics<arbitrary>, #tpu.dimension_semantics<arbitrary>], iteration_bounds = array<i64: 2, 8>, scalar_prefetch = 0 : i64, scratch_operands = 0 : i64, tpu.core_type = #tpu.core_type<tc>, window_params = [{transform_indices = @transform_0, window_bounds = array<i64: 16, 256, 128>}, {transform_indices = @transform_1, window_bounds = array<i64: 1, 256, 32>}, {transform_indices = @transform_2, window_bounds = array<i64: 1, 256, 64>}, {transform_indices = @transform_3, window_bounds = array<i64: 1, 256, 3>}, {pipeline_mode = #tpu.pipeline_mode<synchronous>, transform_indices = @transform_4, window_bounds = array<i64: 3, 3>}, {pipeline_mode = #tpu.pipeline_mode<synchronous>, transform_indices = @transform_5, window_bounds = array<i64: 1, 3>}, {pipeline_mode = #tpu.pipeline_mode<synchronous>, transform_indices = @transform_6, window_bounds = array<i64: 1, 3>}, {pipeline_mode = #tpu.pipeline_mode<synchronous>, transform_indices = @transform_7, window_bounds = array<i64: 1, 3>}, {pipeline_mode = #tpu.pipeline_mode<synchronous>, transform_indices = @transform_8, window_bounds = array<i64: 3, 64>}, {pipeline_mode = #tpu.pipeline_mode<synchronous>, transform_indices = @transform_9, window_bounds = array<i64: 1, 64>}, {pipeline_mode = #tpu.pipeline_mode<synchronous>, transform_indices = @transform_10, window_bounds = array<i64: 1, 32>}, {pipeline_mode = #tpu.pipeline_mode<synchronous>, transform_indices = @transform_11, window_bounds = array<i64: 1, 32>}, {pipeline_mode = #tpu.pipeline_mode<synchronous>, transform_indices = @transform_12, window_bounds = array<i64: 32, 4>}, {pipeline_mode = #tpu.pipeline_mode<synchronous>, transform_indices = @transform_13, window_bounds = array<i64: 1, 4>}, {pipeline_mode = #tpu.pipeline_mode<synchronous>, transform_indices = @transform_14, window_bounds = array<i64: 1, 4>}, {pipeline_mode = #tpu.pipeline_mode<synchronous>, transform_indices = @transform_15, window_bounds = array<i64: 1, 4>}, {pipeline_mode = #tpu.pipeline_mode<synchronous>, transform_indices = @transform_16, window_bounds = array<i64: 4, 8>}, {pipeline_mode = #tpu.pipeline_mode<synchronous>, transform_indices = @transform_17, window_bounds = array<i64: 1, 8>}, {pipeline_mode = #tpu.pipeline_mode<synchronous>, transform_indices = @transform_18, window_bounds = array<i64: 1, 64>}, {pipeline_mode = #tpu.pipeline_mode<synchronous>, transform_indices = @transform_19, window_bounds = array<i64: 1, 64>}, {pipeline_mode = #tpu.pipeline_mode<synchronous>, transform_indices = @transform_20, window_bounds = array<i64: 3, 64>}, {pipeline_mode = #tpu.pipeline_mode<synchronous>, transform_indices = @transform_21, window_bounds = array<i64: 1, 64>}, {pipeline_mode = #tpu.pipeline_mode<synchronous>, transform_indices = @transform_22, window_bounds = array<i64: 64, 64>}, {pipeline_mode = #tpu.pipeline_mode<synchronous>, transform_indices = @transform_23, window_bounds = array<i64: 1, 64>}, {pipeline_mode = #tpu.pipeline_mode<synchronous>, transform_indices = @transform_24, window_bounds = array<i64: 64, 64>}, {pipeline_mode = #tpu.pipeline_mode<synchronous>, transform_indices = @transform_25, window_bounds = array<i64: 1, 64>}, {transform_indices = @transform_26, window_bounds = array<i64: 1, 64, 256>}]} {
    %get3A = arith.constant 0 : index
    %get3A_0 = arith.constant 0 : index
    %get3A_1 = arith.constant 0 : index
    %get3A_2 = vector.load %arg2[%get3A, %get3A_0, %get3A_1] : memref<16x256x128xf32, #tpu.memory_space<vmem>>, vector<16x256x128xf32>
    %reshape3A = vector.shape_cast %get3A_2 : vector<16x256x128xf32> to vector<4096x128xf32>
    %slice3A = vector.extract_strided_slice %reshape3A {offsets = [0, 0], sizes = [4096, 32], strides = [1, 1]} : vector<4096x128xf32> to vector<4096x32xf32>
    %slice3A_3 = vector.extract_strided_slice %reshape3A {offsets = [0, 32], sizes = [4096, 64], strides = [1, 1]} : vector<4096x128xf32> to vector<4096x64xf32>
    %slice3A_4 = vector.extract_strided_slice %reshape3A {offsets = [0, 96], sizes = [4096, 3], strides = [1, 1]} : vector<4096x128xf32> to vector<4096x3xf32>
    %get3A_5 = arith.constant 0 : index
    %get3A_6 = arith.constant 0 : index
    %get3A_7 = arith.constant 0 : index
    %get3A_8 = vector.load %arg5[%get3A_5, %get3A_6, %get3A_7] : memref<1x256x3xf32, #tpu.memory_space<vmem>>, vector<1x256x3xf32>
    %get3A_9 = vector.shape_cast %get3A_8 : vector<1x256x3xf32> to vector<256x3xf32>
    %broadcast_in_dim3A = vector.shape_cast %get3A_9 : vector<256x3xf32> to vector<1x256x3xf32>
    %broadcast_in_dim3A_10 = vector.shape_cast %broadcast_in_dim3A : vector<1x256x3xf32> to vector<1x256x3xf32>
    %broadcast_in_dim3A_11 = vector.broadcast %broadcast_in_dim3A_10 : vector<1x256x3xf32> to vector<16x256x3xf32>
    %reshape3A_12 = vector.shape_cast %broadcast_in_dim3A_11 : vector<16x256x3xf32> to vector<4096x3xf32>
    %sub3A = arith.subf %slice3A_4, %reshape3A_12 : vector<4096x3xf32>
    %get3A_13 = arith.constant 0 : index
    %get3A_14 = arith.constant 0 : index
    %get3A_15 = vector.load %arg6[%get3A_13, %get3A_14] : memref<3x3xf32, #tpu.memory_space<vmem>>, vector<3x3xf32>
    %convert_element_type3A = arith.truncf %sub3A : vector<4096x3xf32> to vector<4096x3xbf16>
    %convert_element_type3A_16 = arith.truncf %get3A_15 : vector<3x3xf32> to vector<3x3xbf16>
    %dot_general3A = arith.constant dense<0.000000e+00> : vector<4096x3xf32>
    %dot_general3A_17 = tpu.matmul %convert_element_type3A, %convert_element_type3A_16, %dot_general3A {dimension_numbers = #tpu.dot_dimension_numbers<[1], [0], [0], [1], [0, 0, 1, 1], [], []>, transpose_lhs_hint = false} : vector<4096x3xbf16>, vector<3x3xbf16>, vector<4096x3xf32> -> vector<4096x3xf32>
    %get3A_18 = arith.constant 0 : index
    %get3A_19 = arith.constant 0 : index
    %get3A_20 = vector.load %arg7[%get3A_18, %get3A_19] : memref<1x3xf32, #tpu.memory_space<vmem>>, vector<1x3xf32>
    %add3A = vector.broadcast %get3A_20 : vector<1x3xf32> to vector<4096x3xf32>
    %add3A_21 = arith.addf %dot_general3A_17, %add3A : vector<4096x3xf32>
    %get3A_22 = arith.constant 0 : index
    %get3A_23 = arith.constant 0 : index
    %get3A_24 = vector.load %arg8[%get3A_22, %get3A_23] : memref<1x3xf32, #tpu.memory_space<vmem>>, vector<1x3xf32>
    %mul3A = vector.broadcast %get3A_24 : vector<1x3xf32> to vector<4096x3xf32>
    %mul3A_25 = arith.mulf %add3A_21, %mul3A : vector<4096x3xf32>
    %get3A_26 = arith.constant 0 : index
    %get3A_27 = arith.constant 0 : index
    %get3A_28 = vector.load %arg9[%get3A_26, %get3A_27] : memref<1x3xf32, #tpu.memory_space<vmem>>, vector<1x3xf32>
    %add3A_29 = vector.broadcast %get3A_28 : vector<1x3xf32> to vector<4096x3xf32>
    %add3A_30 = arith.addf %mul3A_25, %add3A_29 : vector<4096x3xf32>
    %max3A = arith.constant 0.000000e+00 : f32
    %max3A_31 = vector.broadcast %max3A : f32 to vector<4096x3xf32>
    %max3A_32 = arith.maximumf %add3A_30, %max3A_31 : vector<4096x3xf32>
    %get3A_33 = arith.constant 0 : index
    %get3A_34 = arith.constant 0 : index
    %get3A_35 = vector.load %arg10[%get3A_33, %get3A_34] : memref<3x64xf32, #tpu.memory_space<vmem>>, vector<3x64xf32>
    %convert_element_type3A_36 = arith.truncf %max3A_32 : vector<4096x3xf32> to vector<4096x3xbf16>
    %convert_element_type3A_37 = arith.truncf %get3A_35 : vector<3x64xf32> to vector<3x64xbf16>
    %dot_general3A_38 = arith.constant dense<0.000000e+00> : vector<4096x64xf32>
    %dot_general3A_39 = tpu.matmul %convert_element_type3A_36, %convert_element_type3A_37, %dot_general3A_38 {dimension_numbers = #tpu.dot_dimension_numbers<[1], [0], [0], [1], [0, 0, 1, 1], [], []>, transpose_lhs_hint = false} : vector<4096x3xbf16>, vector<3x64xbf16>, vector<4096x64xf32> -> vector<4096x64xf32>
    %get3A_40 = arith.constant 0 : index
    %get3A_41 = arith.constant 0 : index
    %get3A_42 = vector.load %arg11[%get3A_40, %get3A_41] : memref<1x64xf32, #tpu.memory_space<vmem>>, vector<1x64xf32>
    %add3A_43 = vector.broadcast %get3A_42 : vector<1x64xf32> to vector<4096x64xf32>
    %add3A_44 = arith.addf %dot_general3A_39, %add3A_43 : vector<4096x64xf32>
    %get3A_45 = arith.constant 0 : index
    %get3A_46 = arith.constant 0 : index
    %get3A_47 = arith.constant 0 : index
    %get3A_48 = vector.load %arg3[%get3A_45, %get3A_46, %get3A_47] : memref<1x256x32xf32, #tpu.memory_space<vmem>>, vector<1x256x32xf32>
    %get3A_49 = vector.shape_cast %get3A_48 : vector<1x256x32xf32> to vector<256x32xf32>
    %broadcast_in_dim3A_50 = vector.shape_cast %get3A_49 : vector<256x32xf32> to vector<1x256x32xf32>
    %broadcast_in_dim3A_51 = vector.shape_cast %broadcast_in_dim3A_50 : vector<1x256x32xf32> to vector<1x256x32xf32>
    %broadcast_in_dim3A_52 = vector.broadcast %broadcast_in_dim3A_51 : vector<1x256x32xf32> to vector<16x256x32xf32>
    %reshape3A_53 = vector.shape_cast %broadcast_in_dim3A_52 : vector<16x256x32xf32> to vector<4096x32xf32>
    %sub3A_54 = arith.subf %slice3A, %reshape3A_53 : vector<4096x32xf32>
    %slice3A_55 = vector.extract_strided_slice %add3A_44 {offsets = [0, 0], sizes = [4096, 32], strides = [1, 1]} : vector<4096x64xf32> to vector<4096x32xf32>
    %add3A_56 = arith.addf %sub3A_54, %slice3A_55 : vector<4096x32xf32>
    %slice3A_57 = vector.extract_strided_slice %add3A_44 {offsets = [0, 32], sizes = [4096, 32], strides = [1, 1]} : vector<4096x64xf32> to vector<4096x32xf32>
    %add3A_58 = arith.addf %add3A_56, %slice3A_57 : vector<4096x32xf32>
    %get3A_59 = arith.constant 0 : index
    %get3A_60 = arith.constant 0 : index
    %get3A_61 = vector.load %arg12[%get3A_59, %get3A_60] : memref<1x32xf32, #tpu.memory_space<vmem>>, vector<1x32xf32>
    %mul3A_62 = vector.broadcast %get3A_61 : vector<1x32xf32> to vector<4096x32xf32>
    %mul3A_63 = arith.mulf %add3A_58, %mul3A_62 : vector<4096x32xf32>
    %get3A_64 = arith.constant 0 : index
    %get3A_65 = arith.constant 0 : index
    %get3A_66 = vector.load %arg13[%get3A_64, %get3A_65] : memref<1x32xf32, #tpu.memory_space<vmem>>, vector<1x32xf32>
    %add3A_67 = vector.broadcast %get3A_66 : vector<1x32xf32> to vector<4096x32xf32>
    %add3A_68 = arith.addf %mul3A_63, %add3A_67 : vector<4096x32xf32>
    %max3A_69 = arith.constant 0.000000e+00 : f32
    %max3A_70 = vector.broadcast %max3A_69 : f32 to vector<4096x32xf32>
    %max3A_71 = arith.maximumf %add3A_68, %max3A_70 : vector<4096x32xf32>
    %get3A_72 = arith.constant 0 : index
    %get3A_73 = arith.constant 0 : index
    %get3A_74 = vector.load %arg14[%get3A_72, %get3A_73] : memref<32x4xf32, #tpu.memory_space<vmem>>, vector<32x4xf32>
    %convert_element_type3A_75 = arith.truncf %max3A_71 : vector<4096x32xf32> to vector<4096x32xbf16>
    %convert_element_type3A_76 = arith.truncf %get3A_74 : vector<32x4xf32> to vector<32x4xbf16>
    %dot_general3A_77 = arith.constant dense<0.000000e+00> : vector<4096x4xf32>
    %dot_general3A_78 = tpu.matmul %convert_element_type3A_75, %convert_element_type3A_76, %dot_general3A_77 {dimension_numbers = #tpu.dot_dimension_numbers<[1], [0], [0], [1], [0, 0, 1, 1], [], []>, transpose_lhs_hint = false} : vector<4096x32xbf16>, vector<32x4xbf16>, vector<4096x4xf32> -> vector<4096x4xf32>
    %get3A_79 = arith.constant 0 : index
    %get3A_80 = arith.constant 0 : index
    %get3A_81 = vector.load %arg15[%get3A_79, %get3A_80] : memref<1x4xf32, #tpu.memory_space<vmem>>, vector<1x4xf32>
    %add3A_82 = vector.broadcast %get3A_81 : vector<1x4xf32> to vector<4096x4xf32>
    %add3A_83 = arith.addf %dot_general3A_78, %add3A_82 : vector<4096x4xf32>
    %get3A_84 = arith.constant 0 : index
    %get3A_85 = arith.constant 0 : index
    %get3A_86 = vector.load %arg16[%get3A_84, %get3A_85] : memref<1x4xf32, #tpu.memory_space<vmem>>, vector<1x4xf32>
    %mul3A_87 = vector.broadcast %get3A_86 : vector<1x4xf32> to vector<4096x4xf32>
    %mul3A_88 = arith.mulf %add3A_83, %mul3A_87 : vector<4096x4xf32>
    %get3A_89 = arith.constant 0 : index
    %get3A_90 = arith.constant 0 : index
    %get3A_91 = vector.load %arg17[%get3A_89, %get3A_90] : memref<1x4xf32, #tpu.memory_space<vmem>>, vector<1x4xf32>
    %add3A_92 = vector.broadcast %get3A_91 : vector<1x4xf32> to vector<4096x4xf32>
    %add3A_93 = arith.addf %mul3A_88, %add3A_92 : vector<4096x4xf32>
    %max3A_94 = arith.constant 0.000000e+00 : f32
    %max3A_95 = vector.broadcast %max3A_94 : f32 to vector<4096x4xf32>
    %max3A_96 = arith.maximumf %add3A_93, %max3A_95 : vector<4096x4xf32>
    %get3A_97 = arith.constant 0 : index
    %get3A_98 = arith.constant 0 : index
    %get3A_99 = vector.load %arg18[%get3A_97, %get3A_98] : memref<4x8xf32, #tpu.memory_space<vmem>>, vector<4x8xf32>
    %convert_element_type3A_100 = arith.truncf %max3A_96 : vector<4096x4xf32> to vector<4096x4xbf16>
    %convert_element_type3A_101 = arith.truncf %get3A_99 : vector<4x8xf32> to vector<4x8xbf16>
    %dot_general3A_102 = arith.constant dense<0.000000e+00> : vector<4096x8xf32>
    %dot_general3A_103 = tpu.matmul %convert_element_type3A_100, %convert_element_type3A_101, %dot_general3A_102 {dimension_numbers = #tpu.dot_dimension_numbers<[1], [0], [0], [1], [0, 0, 1, 1], [], []>, transpose_lhs_hint = false} : vector<4096x4xbf16>, vector<4x8xbf16>, vector<4096x8xf32> -> vector<4096x8xf32>
    %get3A_104 = arith.constant 0 : index
    %get3A_105 = arith.constant 0 : index
    %get3A_106 = vector.load %arg19[%get3A_104, %get3A_105] : memref<1x8xf32, #tpu.memory_space<vmem>>, vector<1x8xf32>
    %add3A_107 = vector.broadcast %get3A_106 : vector<1x8xf32> to vector<4096x8xf32>
    %add3A_108 = arith.addf %dot_general3A_103, %add3A_107 : vector<4096x8xf32>
    %reshape3A_109 = vector.shape_cast %add3A_108 : vector<4096x8xf32> to vector<16x256x8xf32>
    %reduce_max3A = arith.constant dense<0xFF800000> : vector<256x8xf32>
    %reduce_max3A_110 = vector.multi_reduction <maximumf>, %reshape3A_109, %reduce_max3A [0] : vector<16x256x8xf32> to vector<256x8xf32>
    %broadcast_in_dim3A_111 = vector.shape_cast %reduce_max3A_110 : vector<256x8xf32> to vector<1x256x8xf32>
    %sub3A_112 = vector.broadcast %broadcast_in_dim3A_111 : vector<1x256x8xf32> to vector<16x256x8xf32>
    %sub3A_113 = arith.subf %reshape3A_109, %sub3A_112 : vector<16x256x8xf32>
    %exp3A = math.exp %sub3A_113 : vector<16x256x8xf32>
    %reduce_sum3A = arith.constant dense<0.000000e+00> : vector<256x8xf32>
    %reduce_sum3A_114 = vector.multi_reduction <add>, %exp3A, %reduce_sum3A [0] : vector<16x256x8xf32> to vector<256x8xf32>
    %broadcast_in_dim3A_115 = vector.shape_cast %reduce_sum3A_114 : vector<256x8xf32> to vector<1x256x8xf32>
    %div3A = arith.constant 1.000000e+00 : f32
    %div3A_116 = vector.broadcast %div3A : f32 to vector<1x256x8xf32>
    %div3A_117 = arith.divf %div3A_116, %broadcast_in_dim3A_115 : vector<1x256x8xf32>
    %mul3A_118 = vector.broadcast %div3A_117 : vector<1x256x8xf32> to vector<16x256x8xf32>
    %mul3A_119 = arith.mulf %exp3A, %mul3A_118 : vector<16x256x8xf32>
    %reshape3A_120 = vector.shape_cast %mul3A_119 : vector<16x256x8xf32> to vector<4096x8xf32>
    %concatenate3A = tpu.concatenate %reshape3A_120, %reshape3A_120, %reshape3A_120, %reshape3A_120, %reshape3A_120, %reshape3A_120, %reshape3A_120, %reshape3A_120 in 1 : vector<4096x8xf32>, vector<4096x8xf32>, vector<4096x8xf32>, vector<4096x8xf32>, vector<4096x8xf32>, vector<4096x8xf32>, vector<4096x8xf32>, vector<4096x8xf32> -> vector<4096x64xf32>
    %add3A_121 = arith.addf %slice3A_3, %add3A_44 : vector<4096x64xf32>
    %mul3A_122 = arith.mulf %add3A_121, %concatenate3A : vector<4096x64xf32>
    %get3A_123 = arith.constant 0 : index
    %get3A_124 = arith.constant 0 : index
    %get3A_125 = vector.load %arg20[%get3A_123, %get3A_124] : memref<1x64xf32, #tpu.memory_space<vmem>>, vector<1x64xf32>
    %mul3A_126 = vector.broadcast %get3A_125 : vector<1x64xf32> to vector<4096x64xf32>
    %mul3A_127 = arith.mulf %mul3A_122, %mul3A_126 : vector<4096x64xf32>
    %get3A_128 = arith.constant 0 : index
    %get3A_129 = arith.constant 0 : index
    %get3A_130 = vector.load %arg21[%get3A_128, %get3A_129] : memref<1x64xf32, #tpu.memory_space<vmem>>, vector<1x64xf32>
    %add3A_131 = vector.broadcast %get3A_130 : vector<1x64xf32> to vector<4096x64xf32>
    %add3A_132 = arith.addf %mul3A_127, %add3A_131 : vector<4096x64xf32>
    %max3A_133 = arith.constant 0.000000e+00 : f32
    %max3A_134 = vector.broadcast %max3A_133 : f32 to vector<4096x64xf32>
    %max3A_135 = arith.maximumf %add3A_132, %max3A_134 : vector<4096x64xf32>
    %get3A_136 = arith.constant 0 : index
    %get3A_137 = arith.constant 0 : index
    %get3A_138 = vector.load %arg22[%get3A_136, %get3A_137] : memref<3x64xf32, #tpu.memory_space<vmem>>, vector<3x64xf32>
    %convert_element_type3A_139 = arith.truncf %sub3A : vector<4096x3xf32> to vector<4096x3xbf16>
    %convert_element_type3A_140 = arith.truncf %get3A_138 : vector<3x64xf32> to vector<3x64xbf16>
    %dot_general3A_141 = arith.constant dense<0.000000e+00> : vector<4096x64xf32>
    %dot_general3A_142 = tpu.matmul %convert_element_type3A_139, %convert_element_type3A_140, %dot_general3A_141 {dimension_numbers = #tpu.dot_dimension_numbers<[1], [0], [0], [1], [0, 0, 1, 1], [], []>, transpose_lhs_hint = false} : vector<4096x3xbf16>, vector<3x64xbf16>, vector<4096x64xf32> -> vector<4096x64xf32>
    %get3A_143 = arith.constant 0 : index
    %get3A_144 = arith.constant 0 : index
    %get3A_145 = vector.load %arg23[%get3A_143, %get3A_144] : memref<1x64xf32, #tpu.memory_space<vmem>>, vector<1x64xf32>
    %add3A_146 = vector.broadcast %get3A_145 : vector<1x64xf32> to vector<4096x64xf32>
    %add3A_147 = arith.addf %dot_general3A_142, %add3A_146 : vector<4096x64xf32>
    %get3A_148 = arith.constant 0 : index
    %get3A_149 = arith.constant 0 : index
    %get3A_150 = arith.constant 0 : index
    %get3A_151 = vector.load %arg4[%get3A_148, %get3A_149, %get3A_150] : memref<1x256x64xf32, #tpu.memory_space<vmem>>, vector<1x256x64xf32>
    %get3A_152 = vector.shape_cast %get3A_151 : vector<1x256x64xf32> to vector<256x64xf32>
    %broadcast_in_dim3A_153 = vector.shape_cast %get3A_152 : vector<256x64xf32> to vector<1x256x64xf32>
    %broadcast_in_dim3A_154 = vector.shape_cast %broadcast_in_dim3A_153 : vector<1x256x64xf32> to vector<1x256x64xf32>
    %broadcast_in_dim3A_155 = vector.broadcast %broadcast_in_dim3A_154 : vector<1x256x64xf32> to vector<16x256x64xf32>
    %reshape3A_156 = vector.shape_cast %broadcast_in_dim3A_155 : vector<16x256x64xf32> to vector<4096x64xf32>
    %add3A_157 = arith.addf %reshape3A_156, %max3A_135 : vector<4096x64xf32>
    %add3A_158 = arith.addf %add3A_157, %add3A_147 : vector<4096x64xf32>
    %max3A_159 = arith.constant 0.000000e+00 : f32
    %max3A_160 = vector.broadcast %max3A_159 : f32 to vector<4096x64xf32>
    %max3A_161 = arith.maximumf %add3A_158, %max3A_160 : vector<4096x64xf32>
    %get3A_162 = arith.constant 0 : index
    %get3A_163 = arith.constant 0 : index
    %get3A_164 = vector.load %arg24[%get3A_162, %get3A_163] : memref<64x64xf32, #tpu.memory_space<vmem>>, vector<64x64xf32>
    %convert_element_type3A_165 = arith.truncf %max3A_161 : vector<4096x64xf32> to vector<4096x64xbf16>
    %convert_element_type3A_166 = arith.truncf %get3A_164 : vector<64x64xf32> to vector<64x64xbf16>
    %dot_general3A_167 = arith.constant dense<0.000000e+00> : vector<4096x64xf32>
    %dot_general3A_168 = tpu.matmul %convert_element_type3A_165, %convert_element_type3A_166, %dot_general3A_167 {dimension_numbers = #tpu.dot_dimension_numbers<[1], [0], [0], [1], [0, 0, 1, 1], [], []>, transpose_lhs_hint = false} : vector<4096x64xbf16>, vector<64x64xbf16>, vector<4096x64xf32> -> vector<4096x64xf32>
    %get3A_169 = arith.constant 0 : index
    %get3A_170 = arith.constant 0 : index
    %get3A_171 = vector.load %arg25[%get3A_169, %get3A_170] : memref<1x64xf32, #tpu.memory_space<vmem>>, vector<1x64xf32>
    %add3A_172 = vector.broadcast %get3A_171 : vector<1x64xf32> to vector<4096x64xf32>
    %add3A_173 = arith.addf %dot_general3A_168, %add3A_172 : vector<4096x64xf32>
    %gt3A = arith.constant 0.000000e+00 : f32
    %gt3A_174 = vector.broadcast %gt3A : f32 to vector<4096x64xf32>
    %gt3A_175 = arith.cmpf ogt, %add3A_173, %gt3A_174 : vector<4096x64xf32>
    %mul3A_176 = arith.constant 1.000000e-01 : f32
    %mul3A_177 = vector.broadcast %mul3A_176 : f32 to vector<4096x64xf32>
    %mul3A_178 = arith.mulf %mul3A_177, %add3A_173 : vector<4096x64xf32>
    %select_n3A = arith.select %gt3A_175, %add3A_173, %mul3A_178 : vector<4096x64xi1>, vector<4096x64xf32>
    %get3A_179 = arith.constant 0 : index
    %get3A_180 = arith.constant 0 : index
    %get3A_181 = vector.load %arg26[%get3A_179, %get3A_180] : memref<64x64xf32, #tpu.memory_space<vmem>>, vector<64x64xf32>
    %convert_element_type3A_182 = arith.truncf %select_n3A : vector<4096x64xf32> to vector<4096x64xbf16>
    %convert_element_type3A_183 = arith.truncf %get3A_181 : vector<64x64xf32> to vector<64x64xbf16>
    %dot_general3A_184 = arith.constant dense<0.000000e+00> : vector<4096x64xf32>
    %dot_general3A_185 = tpu.matmul %convert_element_type3A_182, %convert_element_type3A_183, %dot_general3A_184 {dimension_numbers = #tpu.dot_dimension_numbers<[1], [0], [0], [1], [0, 0, 1, 1], [], []>, transpose_lhs_hint = false} : vector<4096x64xbf16>, vector<64x64xbf16>, vector<4096x64xf32> -> vector<4096x64xf32>
    %get3A_186 = arith.constant 0 : index
    %get3A_187 = arith.constant 0 : index
    %get3A_188 = vector.load %arg27[%get3A_186, %get3A_187] : memref<1x64xf32, #tpu.memory_space<vmem>>, vector<1x64xf32>
    %add3A_189 = vector.broadcast %get3A_188 : vector<1x64xf32> to vector<4096x64xf32>
    %add3A_190 = arith.addf %dot_general3A_185, %add3A_189 : vector<4096x64xf32>
    %gt3A_191 = arith.constant 0.000000e+00 : f32
    %gt3A_192 = vector.broadcast %gt3A_191 : f32 to vector<4096x64xf32>
    %gt3A_193 = arith.cmpf ogt, %add3A_190, %gt3A_192 : vector<4096x64xf32>
    %mul3A_194 = arith.constant 1.000000e-01 : f32
    %mul3A_195 = vector.broadcast %mul3A_194 : f32 to vector<4096x64xf32>
    %mul3A_196 = arith.mulf %mul3A_195, %add3A_190 : vector<4096x64xf32>
    %select_n3A_197 = arith.select %gt3A_193, %add3A_190, %mul3A_196 : vector<4096x64xi1>, vector<4096x64xf32>
    %reshape3A_198 = vector.shape_cast %select_n3A_197 : vector<4096x64xf32> to vector<16x256x64xf32>
    %reduce_max3A_199 = arith.constant dense<0xFF800000> : vector<256x64xf32>
    %reduce_max3A_200 = vector.multi_reduction <maximumf>, %reshape3A_198, %reduce_max3A_199 [0] : vector<16x256x64xf32> to vector<256x64xf32>
    %transpose3A = tpu.transpose %reduce_max3A_200, [1, 0] : vector<256x64xf32> -> vector<64x256xf32>
    %swap3A = arith.constant 0 : index
    %swap3A_201 = arith.constant 0 : index
    %swap3A_202 = arith.constant 0 : index
    %swap3A_203 = vector.load %arg28[%swap3A, %swap3A_201, %swap3A_202] : memref<1x64x256xf32, #tpu.memory_space<vmem>>, vector<1x64x256xf32>
    %swap3A_204 = vector.shape_cast %swap3A_203 : vector<1x64x256xf32> to vector<64x256xf32>
    %swap3A_205 = vector.shape_cast %transpose3A : vector<64x256xf32> to vector<1x64x256xf32>
    tpu.vector_store %arg28[%swap3A, %swap3A_201, %swap3A_202], %swap3A_205 {strides = array<i32>} : memref<1x64x256xf32, #tpu.memory_space<vmem>>, vector<1x64x256xf32>,
    return
  }
  func.func @transform_0(%arg0: i32, %arg1: i32) -> (i32, i32, i32) {
    %mul3A = arith.constant 8 : i32
    %mul3A_0 = arith.muli %arg0, %mul3A : i32
    %add3A = arith.addi %mul3A_0, %arg1 : i32
    %c0_i32 = arith.constant 0 : i32
    %c0_i32_1 = arith.constant 0 : i32
    %c0_i32_2 = arith.constant 0 : i32
    return %c0_i32, %add3A, %c0_i32_1 : i32, i32, i32
  }
  func.func @transform_1(%arg0: i32, %arg1: i32) -> (i32, i32, i32) {
    %c0_i32 = arith.constant 0 : i32
    %c0_i32_0 = arith.constant 0 : i32
    return %arg0, %arg1, %c0_i32 : i32, i32, i32
  }
  func.func @transform_2(%arg0: i32, %arg1: i32) -> (i32, i32, i32) {
    %c0_i32 = arith.constant 0 : i32
    %c0_i32_0 = arith.constant 0 : i32
    return %arg0, %arg1, %c0_i32 : i32, i32, i32
  }
  func.func @transform_3(%arg0: i32, %arg1: i32) -> (i32, i32, i32) {
    %c0_i32 = arith.constant 0 : i32
    %c0_i32_0 = arith.constant 0 : i32
    return %arg0, %arg1, %c0_i32 : i32, i32, i32
  }
  func.func @transform_4(%arg0: i32, %arg1: i32) -> (i32, i32) {
    %c0_i32 = arith.constant 0 : i32
    %c0_i32_0 = arith.constant 0 : i32
    %c0_i32_1 = arith.constant 0 : i32
    return %c0_i32, %c0_i32_0 : i32, i32
  }
  func.func @transform_5(%arg0: i32, %arg1: i32) -> (i32, i32) {
    %c0_i32 = arith.constant 0 : i32
    %c0_i32_0 = arith.constant 0 : i32
    %c0_i32_1 = arith.constant 0 : i32
    return %c0_i32, %c0_i32_0 : i32, i32
  }
  func.func @transform_6(%arg0: i32, %arg1: i32) -> (i32, i32) {
    %c0_i32 = arith.constant 0 : i32
    %c0_i32_0 = arith.constant 0 : i32
    %c0_i32_1 = arith.constant 0 : i32
    return %c0_i32, %c0_i32_0 : i32, i32
  }
  func.func @transform_7(%arg0: i32, %arg1: i32) -> (i32, i32) {
    %c0_i32 = arith.constant 0 : i32
    %c0_i32_0 = arith.constant 0 : i32
    %c0_i32_1 = arith.constant 0 : i32
    return %c0_i32, %c0_i32_0 : i32, i32
  }
  func.func @transform_8(%arg0: i32, %arg1: i32) -> (i32, i32) {
    %c0_i32 = arith.constant 0 : i32
    %c0_i32_0 = arith.constant 0 : i32
    %c0_i32_1 = arith.constant 0 : i32
    return %c0_i32, %c0_i32_0 : i32, i32
  }
  func.func @transform_9(%arg0: i32, %arg1: i32) -> (i32, i32) {
    %c0_i32 = arith.constant 0 : i32
    %c0_i32_0 = arith.constant 0 : i32
    %c0_i32_1 = arith.constant 0 : i32
    return %c0_i32, %c0_i32_0 : i32, i32
  }
  func.func @transform_10(%arg0: i32, %arg1: i32) -> (i32, i32) {
    %c0_i32 = arith.constant 0 : i32
    %c0_i32_0 = arith.constant 0 : i32
    %c0_i32_1 = arith.constant 0 : i32
    return %c0_i32, %c0_i32_0 : i32, i32
  }
  func.func @transform_11(%arg0: i32, %arg1: i32) -> (i32, i32) {
    %c0_i32 = arith.constant 0 : i32
    %c0_i32_0 = arith.constant 0 : i32
    %c0_i32_1 = arith.constant 0 : i32
    return %c0_i32, %c0_i32_0 : i32, i32
  }
  func.func @transform_12(%arg0: i32, %arg1: i32) -> (i32, i32) {
    %c0_i32 = arith.constant 0 : i32
    %c0_i32_0 = arith.constant 0 : i32
    %c0_i32_1 = arith.constant 0 : i32
    return %c0_i32, %c0_i32_0 : i32, i32
  }
  func.func @transform_13(%arg0: i32, %arg1: i32) -> (i32, i32) {
    %c0_i32 = arith.constant 0 : i32
    %c0_i32_0 = arith.constant 0 : i32
    %c0_i32_1 = arith.constant 0 : i32
    return %c0_i32, %c0_i32_0 : i32, i32
  }
  func.func @transform_14(%arg0: i32, %arg1: i32) -> (i32, i32) {
    %c0_i32 = arith.constant 0 : i32
    %c0_i32_0 = arith.constant 0 : i32
    %c0_i32_1 = arith.constant 0 : i32
    return %c0_i32, %c0_i32_0 : i32, i32
  }
  func.func @transform_15(%arg0: i32, %arg1: i32) -> (i32, i32) {
    %c0_i32 = arith.constant 0 : i32
    %c0_i32_0 = arith.constant 0 : i32
    %c0_i32_1 = arith.constant 0 : i32
    return %c0_i32, %c0_i32_0 : i32, i32
  }
  func.func @transform_16(%arg0: i32, %arg1: i32) -> (i32, i32) {
    %c0_i32 = arith.constant 0 : i32
    %c0_i32_0 = arith.constant 0 : i32
    %c0_i32_1 = arith.constant 0 : i32
    return %c0_i32, %c0_i32_0 : i32, i32
  }
  func.func @transform_17(%arg0: i32, %arg1: i32) -> (i32, i32) {
    %c0_i32 = arith.constant 0 : i32
    %c0_i32_0 = arith.constant 0 : i32
    %c0_i32_1 = arith.constant 0 : i32
    return %c0_i32, %c0_i32_0 : i32, i32
  }
  func.func @transform_18(%arg0: i32, %arg1: i32) -> (i32, i32) {
    %c0_i32 = arith.constant 0 : i32
    %c0_i32_0 = arith.constant 0 : i32
    %c0_i32_1 = arith.constant 0 : i32
    return %c0_i32, %c0_i32_0 : i32, i32
  }
  func.func @transform_19(%arg0: i32, %arg1: i32) -> (i32, i32) {
    %c0_i32 = arith.constant 0 : i32
    %c0_i32_0 = arith.constant 0 : i32
    %c0_i32_1 = arith.constant 0 : i32
    return %c0_i32, %c0_i32_0 : i32, i32
  }
  func.func @transform_20(%arg0: i32, %arg1: i32) -> (i32, i32) {
    %c0_i32 = arith.constant 0 : i32
    %c0_i32_0 = arith.constant 0 : i32
    %c0_i32_1 = arith.constant 0 : i32
    return %c0_i32, %c0_i32_0 : i32, i32
  }
  func.func @transform_21(%arg0: i32, %arg1: i32) -> (i32, i32) {
    %c0_i32 = arith.constant 0 : i32
    %c0_i32_0 = arith.constant 0 : i32
    %c0_i32_1 = arith.constant 0 : i32
    return %c0_i32, %c0_i32_0 : i32, i32
  }
  func.func @transform_22(%arg0: i32, %arg1: i32) -> (i32, i32) {
    %c0_i32 = arith.constant 0 : i32
    %c0_i32_0 = arith.constant 0 : i32
    %c0_i32_1 = arith.constant 0 : i32
    return %c0_i32, %c0_i32_0 : i32, i32
  }
  func.func @transform_23(%arg0: i32, %arg1: i32) -> (i32, i32) {
    %c0_i32 = arith.constant 0 : i32
    %c0_i32_0 = arith.constant 0 : i32
    %c0_i32_1 = arith.constant 0 : i32
    return %c0_i32, %c0_i32_0 : i32, i32
  }
  func.func @transform_24(%arg0: i32, %arg1: i32) -> (i32, i32) {
    %c0_i32 = arith.constant 0 : i32
    %c0_i32_0 = arith.constant 0 : i32
    %c0_i32_1 = arith.constant 0 : i32
    return %c0_i32, %c0_i32_0 : i32, i32
  }
  func.func @transform_25(%arg0: i32, %arg1: i32) -> (i32, i32) {
    %c0_i32 = arith.constant 0 : i32
    %c0_i32_0 = arith.constant 0 : i32
    %c0_i32_1 = arith.constant 0 : i32
    return %c0_i32, %c0_i32_0 : i32, i32
  }
  func.func @transform_26(%arg0: i32, %arg1: i32) -> (i32, i32, i32) {
    %c0_i32 = arith.constant 0 : i32
    %c0_i32_0 = arith.constant 0 : i32
    return %arg0, %c0_i32, %arg1 : i32, i32, i32
  }
}

</mosaic_0001>

<sc_bundles>
// kernel: kernel.12.cloned.1.call-start
scs
__scs_entry_jumppad:
0x0: {  	(pc) =	sbr.rel $0x88, $3  }
0x1: {  	(tag) =	ssettag $0x0;
	lr =	simm.s32 $0x1  }
0x2: {  	[smem:$0x3F6D] =	sst lr;
	_ =	strace $0xD0000000  }
0x3: {  	_ = 	snop  }
0x4: {  	_ = 	snop  }
0x5: {  	_ = 	snop  }
0x6: {  	_ = 	snop  }
0x7: {  	_ = 	snop  }
__scs_overlays_trampoline_lowered:
0x8: {  	[smem:$0x3F7C] =	sst s0  }
0x9: {  	[smem:$0x3F7D] =	sst s1  }
0xa: {  	[smem:$0x3F7E] =	sst s2  }
0xb: {  	[smem:$0x3F7F] =	sst s3  }
0xc: {  	[smem:$0x3F80] =	sst s4  }
0xd: {  	[smem:$0x3F81] =	sst s5  }
0xe: {  	[smem:$0x3F82] =	sst s6  }
0xf: {  	[smem:$0x3F83] =	sst s7  }
0x10: {  	[smem:$0x3F84] =	sst s8  }
0x11: {  	[smem:$0x3F85] =	sst s9;
	s0 =	simm.s32 @!p0 $0x0  }
0x12: {  	s1 =	sld [smem:$0x3F6B];
	s0 =	simm.s32 @p0 $0x1  }
0x13: {  	[smem:$0x3F86] =	sst s0;
	s0 =	simm.s32 @!p1 $0x0  }
0x14: {  	s2 =	sld [smem:$0x3F6A];
	s0 =	simm.s32 @p1 $0x1  }
0x15: {  	[smem:$0x3F87] =	sst s0;
	s0 =	simm.s32 @!p2 $0x0  }
0x16: {  	s3 =	sld [smem:$0x3FDB];
	s0 =	simm.s32 @p2 $0x1  }
0x17: {  	s4 =	simm.s32 $0x1BF5;
	[smem:$0x3F89] =	sst s0  }
0x18: {  	s0 =	sld [smem:$0x3F6C];
	_ =	swait.ge [sflag:s4], $0x0  }
0x19: {  	s7 =	sld [smem:$0x3F6D]  }
0x1a: {  	s8 =	sadd.s32 $0xFFFFE003, lr  }
0x1b: {  	s9 =	sadd.s32 $0xFFFFFEF7, lr;
	s5 =	simm.s32 $0xFFFFFFFF;
	p2 =	slt.u32 s8, $0xFFFFF086  }
0x1c: {  	p1 =	slt.u32 s9, $0xF7A;
	s5 =	simm.s32 @!p2 $0x0  }
0x1d: {  	s5 =	simm.s32 @p1 $0x1;
	p0 =	seq.s32 s7, s2  }
0x1e: {  	s7 =	smul.u32 @!p0 $0xF7A, s2;
	p2 =	seq.s32 @!p0 s5, $0x0  }
0x1f: {  	s9 =	smul.u32 $0xF7A, s1;
	s8 =	simm.s32 @!p0 $0x1BF5;
	p2 =	por !p2, p0  }
0x20: {  	[sflag:s8] =	ssyncset.s32 @!p0 $0xFFFFF086;
	s6 =	sadd.s32 @!p0 s3, s7;
	s7 =	simm.s32 @!p0 $0x108  }
0x21: {  	s3 =	sadd.s32 s3, s9;
	s6 =	sadd.s32 @!p0 $0x88, s6;
	s7 =	simm.s32 @p2 $0x1082  }
0x22: {  	[simem:s7], [sflag:s8] =	dma.local @!p0 [hbm:s6], $0xF7A  }
0x23: {  	s9 =	sor.u32 $0xD0000000, s2;
	s6 =	simm.s32 $0x108;
	_ =	swait.ge @!p0 [sflag:s8], $0x0  }
0x24: {  	s3 =	sadd.s32 $0x88, s3;
	s6 =	simm.s32 @!p1 $0x1082;
	[sflag:s4] =	ssyncset.s32 $0xFFFFF086  }
0x25: {  	[simem:s6], [sflag:s4] =	dma.local [hbm:s3], $0xF7A  }
0x26: {  	[smem:$0x3F6D] =	sst s1;
	(tag) =	ssettag s2;
	_ =	strace s9  }
0x27: {  	s1 =	sld [smem:$0x3F7D]  }
0x28: {  	s2 =	sld [smem:$0x3F7E]  }
0x29: {  	s4 =	sld [smem:$0x3F80]  }
0x2a: {  	p0 =	seq.s32 s5, $0x0;
	s5 =	sld [smem:$0x3F81]  }
0x2b: {  	s6 =	sld [smem:$0x3F82]  }
0x2c: {  	s7 =	sld [smem:$0x3F83]  }
0x2d: {  	s3 =	simm.s32 $0x108;
	s8 =	sld [smem:$0x3F84]  }
0x2e: {  	s3 =	simm.s32 @!p0 $0x1082;
	s9 =	sld [smem:$0x3F85]  }
0x2f: {  	lr =	sadd.s32 s0, s3;
	s0 =	sld [smem:$0x3F7C]  }
0x30: {  	s3 =	sld [smem:$0x3F7F]  }
0x31: {  	[smem:$0x3F88] =	sst s10  }
0x32: {  	s10 =	sld [smem:$0x3F86];
	_ =	sdelay $0x3  }
0x33: {  	p0 =	seq.s32 s10, $0x1;
	s10 =	sld [smem:$0x3F88];
	_ =	sdelay $0x3  }
0x34: {  	[smem:$0x3F88] =	sst s10  }
0x35: {  	s10 =	sld [smem:$0x3F87];
	_ =	sdelay $0x3  }
0x36: {  	p1 =	seq.s32 s10, $0x1;
	s10 =	sld [smem:$0x3F88];
	_ =	sdelay $0x3  }
0x37: {  	[smem:$0x3F88] =	sst s10  }
0x38: {  	s10 =	sld [smem:$0x3F89]  }
0x39: {  	_ = 	snop;
	(pc) =	sbr.ind lr, $3  }
0x3a: {  	_ = 	snop  }
0x3b: {  	_ = 	snop  }
0x3c: {  	p2 =	seq.s32 s10, $0x1;
	s10 =	sld [smem:$0x3F88]  }
0x3d: {  	_ =	shalt  }
0x3e: {  	_ =	shalt  }
0x3f: {  	_ =	shalt  }
0x40: {  	_ =	shalt  }
0x41: {  	_ =	shalt  }
0x42: {  	_ =	shalt  }
0x43: {  	_ =	shalt  }
0x44: {  	_ =	shalt  }
0x45: {  	_ =	shalt  }
0x46: {  	_ =	shalt  }
0x47: {  	_ =	shalt  }
0x48: {  	_ =	shalt  }
0x49: {  	_ =	shalt  }
0x4a: {  	_ =	shalt  }
0x4b: {  	_ =	shalt  }
0x4c: {  	_ =	shalt  }
0x4d: {  	_ =	shalt  }
0x4e: {  	_ =	shalt  }
0x4f: {  	_ =	shalt  }
0x50: {  	_ =	shalt  }
0x51: {  	_ =	shalt  }
0x52: {  	_ =	shalt  }
0x53: {  	_ =	shalt  }
0x54: {  	_ =	shalt  }
0x55: {  	_ =	shalt  }
0x56: {  	_ =	shalt  }
0x57: {  	_ =	shalt  }
0x58: {  	_ =	shalt  }
0x59: {  	_ =	shalt  }
0x5a: {  	_ =	shalt  }
0x5b: {  	_ =	shalt  }
0x5c: {  	_ =	shalt  }
0x5d: {  	_ =	shalt  }
0x5e: {  	_ =	shalt  }
0x5f: {  	_ =	shalt  }
0x60: {  	_ =	shalt  }
0x61: {  	_ =	shalt  }
0x62: {  	_ =	shalt  }
0x63: {  	_ =	shalt  }
0x64: {  	_ =	shalt  }
0x65: {  	_ =	shalt  }
0x66: {  	_ =	shalt  }
0x67: {  	_ =	shalt  }
0x68: {  	_ =	shalt  }
0x69: {  	_ =	shalt  }
0x6a: {  	_ =	shalt  }
0x6b: {  	_ =	shalt  }
0x6c: {  	_ =	shalt  }
0x6d: {  	_ =	shalt  }
0x6e: {  	_ =	shalt  }
0x6f: {  	_ =	shalt  }
0x70: {  	_ =	shalt  }
0x71: {  	_ =	shalt  }
0x72: {  	_ =	shalt  }
0x73: {  	_ =	shalt  }
0x74: {  	_ =	shalt  }
0x75: {  	_ =	shalt  }
0x76: {  	_ =	shalt  }
0x77: {  	_ =	shalt  }
0x78: {  	_ =	shalt  }
0x79: {  	_ =	shalt  }
0x7a: {  	_ =	shalt  }
0x7b: {  	_ =	shalt  }
0x7c: {  	_ =	shalt  }
0x7d: {  	_ =	shalt  }
0x7e: {  	_ =	shalt  }
0x7f: {  	_ =	shalt  }
0x80: {  	_ =	shalt  }
0x81: {  	_ =	shalt  }
0x82: {  	_ =	shalt  }
0x83: {  	_ =	shalt  }
0x84: {  	_ =	shalt  }
0x85: {  	_ =	shalt  }
0x86: {  	_ =	shalt  }
0x87: {  	_ =	shalt  }
.Lfunc_end0:
.L_simem_size_0:
called_computation.1_lowered:
.L_overlay_start_0:
0x88: {  	s2 =	sld [smem:$0x3FD9]  }
0x89: {  	s3 =	sld [smem:$0x3FFE];
	_ =	sdelay $0x1  }
0x8a: {  	s1 =	srdreg.scid  }
0x8b: {  	s0 =	sand.u32 $0x1, s1  }
0x8c: {  	s17 =	sshll.u32 s0, $0xA;
	s2 =	sadd.s32 s3, s2  }
0x8d: {  	s2 =	sadd.s32 s2, s17  }
0x8e: {  	[smem:$0x3F94] =	sst s2  }
0x8f: {  	_ = 	snop  }
0x90: {  	s2 =	sld [smem:$0x3FD0];
	(tm) =	ssettm $0x1  }
0x91: {  	s18 =	sld [smem:$0x3FFB];
	_ =	sdelay $0x3  }
0x92: {  	_ =	strace s18  }
0x93: {  	s3 =	sld [smem:$0x3FFC];
	_ =	sdelay $0x3  }
0x94: {  	_ =	strace s3  }
0x95: {  	s3 =	sld [smem:$0x3FFD];
	_ =	sdelay $0x3  }
0x96: {  	_ =	strace s3  }
0x97: {  	_ =	strace $0x8FFFFFFF  }
0x98: {  	s19 =	sld [smem:$0x3FDB];
	_ =	sdelay $0x1  }
0x99: {  	s4 =	simm.s32 $_scs_section_size  }
0x9a: {  	s5 =	simm.s32 $_size__tile_overlayer_lowered;
	s6 =	simm.s32 $_tile_overlayer_lowered  }
0x9b: {  	s22 =	simm.s32 $0x1BFF;
	s21 =	sshll.u32 s6, $0x1;
	s3 =	sadd.s32 s4, s19  }
0x9c: {  	s7 =	simm.s32 $0x0;
	s20 =	sshll.u32 s5, $0x1;
	s5 =	sadd.s32 s21, s3  }
0x9d: {  	[timem:s7], [sflag:s22] =	dma.local [hbm:s5], s20  }
0x9e: {  	_ =	swait.ge [sflag:s22], s20  }
0x9f: {  	s4 =	ssub.s32 $0x0, s20;
	[sflag:s22] =	ssyncset.done $0x0  }
0xa0: {  	[sflag:s22] =	ssyncadd.s32 s4;
	_ =	sdelay $0x1  }
0xa1: {  	s23 =	simm.s32 $0x1B8B  }
0xa2: {  	_ =	swait.ge [sflag:s23], $0x1  }
0xa3: {  	[sflag:s23] =	ssyncset.done $0x0  }
0xa4: {  	s25 =	simm.s32 $0x1B8E;
	s24 =	sld [smem:$0x3FFE];
	[sflag:s23] =	ssyncadd.s32 $0xFFFFFFFF  }
0xa5: {  	s26 =	simm.s32 $execute0_lowered;
	[smem:$0x3FD2] =	sst s25  }
0xa6: {  	s5 =	sshll.u32 s26, $0x1;
	_ =	strace $0x80000046;
	[dreg:$0x1] =	wrdreg $0xFFFFFFFF  }
0xa7: {  	s28 =	simm.s32 $_size_execute0_lowered;
	s3 =	sadd.s32 s3, s5;
	[dreg:$0x0] =	wrdreg $0x0  }
0xa8: {  	s5 =	sshll.u32 s28, $0x1;
	[dreg:$0x2] =	wrdreg s3  }
0xa9: {  	[dreg:$0x3] =	wrdreg s5  }
0xaa: {  	[dreg:$0x4] =	wrdreg $0xC0  }
0xab: {  	_ =	task [dreg:s7], $0x5FFFF  }
0xac: {  	[dreg:$0x1] =	wrdreg $0xFFFFFFFF  }
0xad: {  	[dreg:$0x0] =	wrdreg $0x60  }
0xae: {  	[dreg:$0x2] =	wrdreg s24  }
0xaf: {  	[dreg:$0x3] =	wrdreg s2  }
0xb0: {  	[dreg:$0x4] =	wrdreg $0xA  }
0xb1: {  	_ =	task.clear_ibuf [dreg:s7], $0x5FFFF;
	_ =	strace $0x90000046  }
0xb2: {  	s29 =	simm.s32 $0xA;
	_ =	strace $0x80000048  }
0xb3: {  	_ =	swait.ge [sflag:s29], $0x1  }
0xb4: {  	[sflag:s29] =	ssyncadd.s32 $0xFFFFFFFF  }
0xb5: {  	_ =	strace $0x90000048  }
0xb6: {  	_ =	sfence  }
0xb7: {  	s30 =	sld [smem:$0x0];
	_ =	sdelay $0x2  }
0xb8: {  	s31 =	sshll.u32 s1, $0xD;
	s1 =	sshrl.u32 s1, $0x2  }
0xb9: {  	s3 =	sand.u32 $0x4000, s31;
	s1 =	sadd.s32 s1, s30  }
0xba: {  	s0 =	sor.u32 s3, s0;
	s1 =	sshll.u32 s1, $0x11  }
0xbb: {  	s0 =	sor.u32 s1, s0  }
0xbc: {  	s0 =	sadd.s32 $0x8F2B, s0  }
0xbd: {  	[sflag:s0] =	ssyncadd.remote.s32 $0x1  }
0xbe: {  	_ =	sfence.sel $0xFFFF  }
0xbf: {  	[dreg:$0x0] =	wrdreg $0xFFFFFFFF;
	(pc) =	sbr.abs _section_cstart, $3  }
0xc0: {  	[dreg:$0x1] =	wrdreg $0xFFFFFFFF  }
0xc1: {  	_ =	task.clear_ibuf [dreg:s7], $0x2FFFF;
	_ =	strace $0x9FFFFFFF  }
0xc2: {  	(tm) =	ssettm $0x7FFFFFFF  }
0xc3: {  	_ =	shalt  }
tec
execute0_lowered:
.L_overlay_start_1:
0x0: {  	(tag) =	ssettag $0x1  }
0x1: {  	s1 =	srdreg.scid  }
0x2: {  	s8 =	rddreg [dreg:$0x0];
	s0 =	stileid.u32;
	s14 =	sand.u32 $0x1, s1  }
0x3: {  	s13 =	rddreg [dreg:$0x1];
	s3 =	sshll.u32 s0, $0xC;
	s4 =	sshll.u32 s14, $0xB  }
0x4: {  	s2 =	simm.s32 $0x0;
	s1 =	rddreg [dreg:$0x2];
	s15 =	sor.u32 s4, s3  }
0x5: {  	[smem:$0x7FF] =	sst s2;
	s3 =	sshrl.u32 s15, $0x3  }
0x6: {  	_ =	strace $0x80000047;
	s4 =	sadd.s32 s13, s3;
	s3 =	simm.s32 $0x2  }
0x7: {  	[tilespmem:s2], [sflag:$0x2] =	stream.linear.gather [hbm4b:s4+s2], $0x200, $0x38;
	[tilespmem:$0x10200] =	vst v63  }
0x8: {  	_ =	swait.ge [sflag:s3], $0x200  }
0x9: {  	s6 =	simm.s32 $0x200;
	[sflag:s3] =	ssyncset.done $0x0  }
0xa: {  	s7 =	simm.s32 $0x1;
	s5 =	sadd.s32 $0x8200, s8;
	[sflag:s3] =	ssyncadd.s32 $0xFFFFFE00  }
0xb: {  	[tilespmem:s6], [sflag:$0x1] =	stream.indirect.gather [hbm4b:s5+s6], $0x80, s2, s6, $0xb8;
	[tilespmem:$0x10200] =	vst v63  }
0xc: {  	_ =	swait.ge [sflag:s7], $0x10000  }
0xd: {  	s16 =	sadd.s32 $0x28200, s8;
	s28 =	sshll.u32 s15, $0x4;
	[sflag:s7] =	ssyncset.done $0x0  }
0xe: {  	s8 =	sadd.s32 s16, s28;
	[sflag:s7] =	ssyncadd.s32 $0xFFFF0000  }
0xf: {  	[hbm4b:s8+s2] =	stream.linear.scatter [tilespmem:s6], [sflag:$0x2], $0x10000, $0x38;
	[tilespmem:$0x10200] =	vst v63  }
0x10: {  	s10 =	sor.u32 $0x200, s15;
	_ =	swait.ge [sflag:s3], $0x10000  }
0x11: {  	s9 =	sshrl.u32 s10, $0x3;
	[sflag:s3] =	ssyncset.done $0x0  }
0x12: {  	s9 =	sadd.s32 s13, s9;
	[sflag:s3] =	ssyncadd.s32 $0xFFFF0000  }
0x13: {  	[tilespmem:s2], [sflag:$0x2] =	stream.linear.gather [hbm4b:s9+s2], $0x200, $0x38;
	[tilespmem:$0x10200] =	vst v63  }
0x14: {  	_ =	swait.ge [sflag:s3], $0x200  }
0x15: {  	[sflag:s3] =	ssyncset.done $0x0  }
0x16: {  	[sflag:s3] =	ssyncadd.s32 $0xFFFFFE00  }
0x17: {  	[tilespmem:s6], [sflag:$0x1] =	stream.indirect.gather [hbm4b:s5+s6], $0x80, s2, s6, $0xb8;
	[tilespmem:$0x10200] =	vst v63  }
0x18: {  	_ =	swait.ge [sflag:s7], $0x10000  }
0x19: {  	s10 =	sshll.u32 s10, $0x4;
	[sflag:s7] =	ssyncset.done $0x0  }
0x1a: {  	s10 =	sadd.s32 s16, s10;
	[sflag:s7] =	ssyncadd.s32 $0xFFFF0000  }
0x1b: {  	[hbm4b:s10+s2] =	stream.linear.scatter [tilespmem:s6], [sflag:$0x2], $0x10000, $0x38;
	[tilespmem:$0x10200] =	vst v63  }
0x1c: {  	s12 =	sor.u32 $0x400, s15;
	_ =	swait.ge [sflag:s3], $0x10000  }
0x1d: {  	s11 =	sshrl.u32 s12, $0x3;
	[sflag:s3] =	ssyncset.done $0x0  }
0x1e: {  	s11 =	sadd.s32 s13, s11;
	[sflag:s3] =	ssyncadd.s32 $0xFFFF0000  }
0x1f: {  	[tilespmem:s2], [sflag:$0x2] =	stream.linear.gather [hbm4b:s11+s2], $0x200, $0x38;
	[tilespmem:$0x10200] =	vst v63  }
0x20: {  	_ =	swait.ge [sflag:s3], $0x200  }
0x21: {  	[sflag:s3] =	ssyncset.done $0x0  }
0x22: {  	[sflag:s3] =	ssyncadd.s32 $0xFFFFFE00  }
0x23: {  	[tilespmem:s6], [sflag:$0x1] =	stream.indirect.gather [hbm4b:s5+s6], $0x80, s2, s6, $0xb8;
	[tilespmem:$0x10200] =	vst v63  }
0x24: {  	_ =	swait.ge [sflag:s7], $0x10000  }
0x25: {  	s12 =	sshll.u32 s12, $0x4;
	[sflag:s7] =	ssyncset.done $0x0  }
0x26: {  	s12 =	sadd.s32 s16, s12;
	[sflag:s7] =	ssyncadd.s32 $0xFFFF0000  }
0x27: {  	[hbm4b:s12+s2] =	stream.linear.scatter [tilespmem:s6], [sflag:$0x2], $0x10000, $0x38;
	[tilespmem:$0x10200] =	vst v63  }
0x28: {  	s15 =	sor.u32 $0x600, s15;
	_ =	swait.ge [sflag:s3], $0x10000  }
0x29: {  	s17 =	sshrl.u32 s15, $0x3;
	[sflag:s3] =	ssyncset.done $0x0  }
0x2a: {  	s14 =	ssub.s32 $0x2, s14;
	s13 =	sadd.s32 s13, s17;
	[sflag:s3] =	ssyncadd.s32 $0xFFFF0000  }
0x2b: {  	[tilespmem:s2], [sflag:$0x2] =	stream.linear.gather [hbm4b:s13+s2], $0x200, $0x38;
	[tilespmem:$0x10200] =	vst v63  }
0x2c: {  	s29 =	sshrl.u32 s14, $0x1;
	_ =	swait.ge [sflag:s3], $0x200  }
0x2d: {  	s17 =	ssub.s32 s14, s29;
	[sflag:s3] =	ssyncset.done $0x0  }
0x2e: {  	s31 =	smax.u32 s17, $0x1;
	[sflag:s3] =	ssyncadd.s32 $0xFFFFFE00  }
0x2f: {  	[tilespmem:s6], [sflag:$0x1] =	stream.indirect.gather [hbm4b:s5+s6], $0x80, s2, s6, $0xb8;
	[tilespmem:$0x10200] =	vst v63  }
0x30: {  	p0 =	sne.s32 s31, $0x1;
	_ =	swait.ge [sflag:s7], $0x10000  }
.Ltmp0:
0x31: {  	s30 =	sshll.u32 s15, $0x4;
	[sflag:s7] =	ssyncset.done $0x0;
	(pc) =	sbr.rel @!p0 .LBB2_2-.Ltmp0, $4  }
0x32: {  	s14 =	sadd.s32 s16, s30;
	[sflag:s7] =	ssyncadd.s32 $0xFFFF0000  }
0x33: {  	[hbm4b:s14+s2] =	stream.linear.scatter [tilespmem:s6], [sflag:$0x2], $0x10000, $0x38;
	[tilespmem:$0x10200] =	vst v63  }
0x34: {  	_ =	swait.ge [sflag:s3], $0x10000  }
0x35: {  	s15 =	sadd.s32 $0xFFFFFFFF, s31;
	[sflag:s3] =	ssyncset.done $0x0  }
.LBB2_1:
0x36: {  	p0 =	sne.s32 s15, $0x1;
	s15 =	sadd.s32 $0xFFFFFFFF, s15;
	[sflag:s3] =	ssyncadd.s32 $0xFFFF0000  }
0x37: {  	[tilespmem:s2], [sflag:$0x2] =	stream.linear.gather [hbm4b:s4+s2], $0x200, $0x38;
	[tilespmem:$0x10200] =	vst v63  }
0x38: {  	_ =	swait.ge [sflag:s3], $0x200  }
0x39: {  	[sflag:s3] =	ssyncset.done $0x0  }
0x3a: {  	[sflag:s3] =	ssyncadd.s32 $0xFFFFFE00  }
0x3b: {  	[tilespmem:s6], [sflag:$0x1] =	stream.indirect.gather [hbm4b:s5+s6], $0x80, s2, s6, $0xb8;
	[tilespmem:$0x10200] =	vst v63  }
0x3c: {  	_ =	swait.ge [sflag:s7], $0x10000  }
0x3d: {  	[sflag:s7] =	ssyncset.done $0x0  }
0x3e: {  	[sflag:s7] =	ssyncadd.s32 $0xFFFF0000  }
0x3f: {  	[hbm4b:s8+s2] =	stream.linear.scatter [tilespmem:s6], [sflag:$0x2], $0x10000, $0x38;
	[tilespmem:$0x10200] =	vst v63  }
0x40: {  	_ =	swait.ge [sflag:s3], $0x10000  }
0x41: {  	[sflag:s3] =	ssyncset.done $0x0  }
0x42: {  	[sflag:s3] =	ssyncadd.s32 $0xFFFF0000  }
0x43: {  	[tilespmem:s2], [sflag:$0x2] =	stream.linear.gather [hbm4b:s9+s2], $0x200, $0x38;
	[tilespmem:$0x10200] =	vst v63  }
0x44: {  	_ =	swait.ge [sflag:s3], $0x200  }
0x45: {  	[sflag:s3] =	ssyncset.done $0x0  }
0x46: {  	[sflag:s3] =	ssyncadd.s32 $0xFFFFFE00  }
0x47: {  	[tilespmem:s6], [sflag:$0x1] =	stream.indirect.gather [hbm4b:s5+s6], $0x80, s2, s6, $0xb8;
	[tilespmem:$0x10200] =	vst v63  }
0x48: {  	_ =	swait.ge [sflag:s7], $0x10000  }
0x49: {  	[sflag:s7] =	ssyncset.done $0x0  }
0x4a: {  	[sflag:s7] =	ssyncadd.s32 $0xFFFF0000  }
0x4b: {  	[hbm4b:s10+s2] =	stream.linear.scatter [tilespmem:s6], [sflag:$0x2], $0x10000, $0x38;
	[tilespmem:$0x10200] =	vst v63  }
0x4c: {  	_ =	swait.ge [sflag:s3], $0x10000  }
0x4d: {  	[sflag:s3] =	ssyncset.done $0x0  }
0x4e: {  	[sflag:s3] =	ssyncadd.s32 $0xFFFF0000  }
0x4f: {  	[tilespmem:s2], [sflag:$0x2] =	stream.linear.gather [hbm4b:s11+s2], $0x200, $0x38;
	[tilespmem:$0x10200] =	vst v63  }
0x50: {  	_ =	swait.ge [sflag:s3], $0x200  }
0x51: {  	[sflag:s3] =	ssyncset.done $0x0  }
0x52: {  	[sflag:s3] =	ssyncadd.s32 $0xFFFFFE00  }
0x53: {  	[tilespmem:s6], [sflag:$0x1] =	stream.indirect.gather [hbm4b:s5+s6], $0x80, s2, s6, $0xb8;
	[tilespmem:$0x10200] =	vst v63  }
0x54: {  	_ =	swait.ge [sflag:s7], $0x10000  }
0x55: {  	[sflag:s7] =	ssyncset.done $0x0  }
0x56: {  	[sflag:s7] =	ssyncadd.s32 $0xFFFF0000  }
0x57: {  	[hbm4b:s12+s2] =	stream.linear.scatter [tilespmem:s6], [sflag:$0x2], $0x10000, $0x38;
	[tilespmem:$0x10200] =	vst v63  }
0x58: {  	_ =	swait.ge [sflag:s3], $0x10000  }
0x59: {  	[sflag:s3] =	ssyncset.done $0x0  }
0x5a: {  	[sflag:s3] =	ssyncadd.s32 $0xFFFF0000  }
0x5b: {  	[tilespmem:s2], [sflag:$0x2] =	stream.linear.gather [hbm4b:s13+s2], $0x200, $0x38;
	[tilespmem:$0x10200] =	vst v63  }
0x5c: {  	_ =	swait.ge [sflag:s3], $0x200  }
0x5d: {  	[sflag:s3] =	ssyncset.done $0x0  }
0x5e: {  	[sflag:s3] =	ssyncadd.s32 $0xFFFFFE00  }
0x5f: {  	[tilespmem:s6], [sflag:$0x1] =	stream.indirect.gather [hbm4b:s5+s6], $0x80, s2, s6, $0xb8;
	[tilespmem:$0x10200] =	vst v63  }
0x60: {  	_ =	swait.ge [sflag:s7], $0x10000  }
.Ltmp1:
0x61: {  	[sflag:s7] =	ssyncset.done $0x0;
	(pc) =	sbr.rel @p0 .LBB2_1-.Ltmp1, $4  }
0x62: {  	[sflag:s7] =	ssyncadd.s32 $0xFFFF0000  }
0x63: {  	[hbm4b:s14+s2] =	stream.linear.scatter [tilespmem:s6], [sflag:$0x2], $0x10000, $0x38;
	[tilespmem:$0x10200] =	vst v63  }
0x64: {  	_ =	swait.ge [sflag:s3], $0x10000  }
0x65: {  	[sflag:s3] =	ssyncset.done $0x0  }
.LBB2_2:
0x66: {  	[sflag:s3] =	ssyncadd.s32 $0xFFFF0000  }
0x67: {  	_ =	sfence.sel $0x180000  }
0x68: {  	[bflag:$0x0] =	sbarrier.arrive $0xFFFF  }
0x69: {  	p0 =	sne.s32 s0, $0x0;
	_ =	strace $0x90000047  }
0x6a: {  	s0 =	sadd.s32 @!p0 $0x100000, s1;
	[bflag:$0x2] =	sbarrier.arrive $0xFFFF  }
0x6b: {  	[sflag:s0] =	ssyncadd.tile.s32 @!p0 $0x1;
	_ =	shalt  }
.Lfunc_end2:
_tile_overlayer_lowered:
.L_overlay_start_2:
0x6c: {  	(tag) =	ssettag $0x2  }
0x6d: {  	s0 =	rddreg [dreg:$0x0];
	s2 =	stileid.u32  }
0x6e: {  	s1 =	rddreg [dreg:$0x1];
	p0 =	sne.s32 s2, $0x0  }
0x6f: {  	s3 =	rddreg [dreg:$0x2];
	[bflag:$0x3] =	sbarrier.arrive $0xFFFF;
	s2 =	simm.s32 @!p0 $0x1C02  }
0x70: {  	[timem:s3], [sflag:s2] =	dma.local @!p0 [hbm:s0], s1  }
0x71: {  	s0 =	simm.s32 @!p0 $0x2  }
0x72: {  	_ =	swait.ge @!p0 [sflag:s0], s1  }
0x73: {  	s1 =	ssub.s32 @!p0 $0x0, s1;
	[sflag:s0] =	ssyncset.done @!p0 $0x0  }
0x74: {  	[sflag:s0] =	ssyncadd.s32 @!p0 s1  }
0x75: {  	[bflag:$0x3] =	sbarrier.arrive $0xFFFF  }
0x76: {  	_ =	shalt  }

// kernel: kernel.9.cloned.1.call-start
scs
__scs_entry_jumppad:
0x0: {  	(pc) =	sbr.rel $0x88, $3  }
0x1: {  	(tag) =	ssettag $0x0;
	lr =	simm.s32 $0x1  }
0x2: {  	[smem:$0x3F6D] =	sst lr;
	_ =	strace $0xD0000000  }
0x3: {  	_ = 	snop  }
0x4: {  	_ = 	snop  }
0x5: {  	_ = 	snop  }
0x6: {  	_ = 	snop  }
0x7: {  	_ = 	snop  }
__scs_overlays_trampoline_lowered:
0x8: {  	[smem:$0x3F7C] =	sst s0  }
0x9: {  	[smem:$0x3F7D] =	sst s1  }
0xa: {  	[smem:$0x3F7E] =	sst s2  }
0xb: {  	[smem:$0x3F7F] =	sst s3  }
0xc: {  	[smem:$0x3F80] =	sst s4  }
0xd: {  	[smem:$0x3F81] =	sst s5  }
0xe: {  	[smem:$0x3F82] =	sst s6  }
0xf: {  	[smem:$0x3F83] =	sst s7  }
0x10: {  	[smem:$0x3F84] =	sst s8  }
0x11: {  	[smem:$0x3F85] =	sst s9;
	s0 =	simm.s32 @!p0 $0x0  }
0x12: {  	s1 =	sld [smem:$0x3F6B];
	s0 =	simm.s32 @p0 $0x1  }
0x13: {  	[smem:$0x3F86] =	sst s0;
	s0 =	simm.s32 @!p1 $0x0  }
0x14: {  	s2 =	sld [smem:$0x3F6A];
	s0 =	simm.s32 @p1 $0x1  }
0x15: {  	[smem:$0x3F87] =	sst s0;
	s0 =	simm.s32 @!p2 $0x0  }
0x16: {  	s3 =	sld [smem:$0x3FDB];
	s0 =	simm.s32 @p2 $0x1  }
0x17: {  	s4 =	simm.s32 $0x1BF5;
	[smem:$0x3F89] =	sst s0  }
0x18: {  	s0 =	sld [smem:$0x3F6C];
	_ =	swait.ge [sflag:s4], $0x0  }
0x19: {  	s7 =	sld [smem:$0x3F6D]  }
0x1a: {  	s8 =	sadd.s32 $0xFFFFE003, lr  }
0x1b: {  	s9 =	sadd.s32 $0xFFFFFEF7, lr;
	s5 =	simm.s32 $0xFFFFFFFF;
	p2 =	slt.u32 s8, $0xFFFFF086  }
0x1c: {  	p1 =	slt.u32 s9, $0xF7A;
	s5 =	simm.s32 @!p2 $0x0  }
0x1d: {  	s5 =	simm.s32 @p1 $0x1;
	p0 =	seq.s32 s7, s2  }
0x1e: {  	s7 =	smul.u32 @!p0 $0xF7A, s2;
	p2 =	seq.s32 @!p0 s5, $0x0  }
0x1f: {  	s9 =	smul.u32 $0xF7A, s1;
	s8 =	simm.s32 @!p0 $0x1BF5;
	p2 =	por !p2, p0  }
0x20: {  	[sflag:s8] =	ssyncset.s32 @!p0 $0xFFFFF086;
	s6 =	sadd.s32 @!p0 s3, s7;
	s7 =	simm.s32 @!p0 $0x108  }
0x21: {  	s3 =	sadd.s32 s3, s9;
	s6 =	sadd.s32 @!p0 $0x88, s6;
	s7 =	simm.s32 @p2 $0x1082  }
0x22: {  	[simem:s7], [sflag:s8] =	dma.local @!p0 [hbm:s6], $0xF7A  }
0x23: {  	s9 =	sor.u32 $0xD0000000, s2;
	s6 =	simm.s32 $0x108;
	_ =	swait.ge @!p0 [sflag:s8], $0x0  }
0x24: {  	s3 =	sadd.s32 $0x88, s3;
	s6 =	simm.s32 @!p1 $0x1082;
	[sflag:s4] =	ssyncset.s32 $0xFFFFF086  }
0x25: {  	[simem:s6], [sflag:s4] =	dma.local [hbm:s3], $0xF7A  }
0x26: {  	[smem:$0x3F6D] =	sst s1;
	(tag) =	ssettag s2;
	_ =	strace s9  }
0x27: {  	s1 =	sld [smem:$0x3F7D]  }
0x28: {  	s2 =	sld [smem:$0x3F7E]  }
0x29: {  	s4 =	sld [smem:$0x3F80]  }
0x2a: {  	p0 =	seq.s32 s5, $0x0;
	s5 =	sld [smem:$0x3F81]  }
0x2b: {  	s6 =	sld [smem:$0x3F82]  }
0x2c: {  	s7 =	sld [smem:$0x3F83]  }
0x2d: {  	s3 =	simm.s32 $0x108;
	s8 =	sld [smem:$0x3F84]  }
0x2e: {  	s3 =	simm.s32 @!p0 $0x1082;
	s9 =	sld [smem:$0x3F85]  }
0x2f: {  	lr =	sadd.s32 s0, s3;
	s0 =	sld [smem:$0x3F7C]  }
0x30: {  	s3 =	sld [smem:$0x3F7F]  }
0x31: {  	[smem:$0x3F88] =	sst s10  }
0x32: {  	s10 =	sld [smem:$0x3F86];
	_ =	sdelay $0x3  }
0x33: {  	p0 =	seq.s32 s10, $0x1;
	s10 =	sld [smem:$0x3F88];
	_ =	sdelay $0x3  }
0x34: {  	[smem:$0x3F88] =	sst s10  }
0x35: {  	s10 =	sld [smem:$0x3F87];
	_ =	sdelay $0x3  }
0x36: {  	p1 =	seq.s32 s10, $0x1;
	s10 =	sld [smem:$0x3F88];
	_ =	sdelay $0x3  }
0x37: {  	[smem:$0x3F88] =	sst s10  }
0x38: {  	s10 =	sld [smem:$0x3F89]  }
0x39: {  	_ = 	snop;
	(pc) =	sbr.ind lr, $3  }
0x3a: {  	_ = 	snop  }
0x3b: {  	_ = 	snop  }
0x3c: {  	p2 =	seq.s32 s10, $0x1;
	s10 =	sld [smem:$0x3F88]  }
0x3d: {  	_ =	shalt  }
0x3e: {  	_ =	shalt  }
0x3f: {  	_ =	shalt  }
0x40: {  	_ =	shalt  }
0x41: {  	_ =	shalt  }
0x42: {  	_ =	shalt  }
0x43: {  	_ =	shalt  }
0x44: {  	_ =	shalt  }
0x45: {  	_ =	shalt  }
0x46: {  	_ =	shalt  }
0x47: {  	_ =	shalt  }
0x48: {  	_ =	shalt  }
0x49: {  	_ =	shalt  }
0x4a: {  	_ =	shalt  }
0x4b: {  	_ =	shalt  }
0x4c: {  	_ =	shalt  }
0x4d: {  	_ =	shalt  }
0x4e: {  	_ =	shalt  }
0x4f: {  	_ =	shalt  }
0x50: {  	_ =	shalt  }
0x51: {  	_ =	shalt  }
0x52: {  	_ =	shalt  }
0x53: {  	_ =	shalt  }
0x54: {  	_ =	shalt  }
0x55: {  	_ =	shalt  }
0x56: {  	_ =	shalt  }
0x57: {  	_ =	shalt  }
0x58: {  	_ =	shalt  }
0x59: {  	_ =	shalt  }
0x5a: {  	_ =	shalt  }
0x5b: {  	_ =	shalt  }
0x5c: {  	_ =	shalt  }
0x5d: {  	_ =	shalt  }
0x5e: {  	_ =	shalt  }
0x5f: {  	_ =	shalt  }
0x60: {  	_ =	shalt  }
0x61: {  	_ =	shalt  }
0x62: {  	_ =	shalt  }
0x63: {  	_ =	shalt  }
0x64: {  	_ =	shalt  }
0x65: {  	_ =	shalt  }
0x66: {  	_ =	shalt  }
0x67: {  	_ =	shalt  }
0x68: {  	_ =	shalt  }
0x69: {  	_ =	shalt  }
0x6a: {  	_ =	shalt  }
0x6b: {  	_ =	shalt  }
0x6c: {  	_ =	shalt  }
0x6d: {  	_ =	shalt  }
0x6e: {  	_ =	shalt  }
0x6f: {  	_ =	shalt  }
0x70: {  	_ =	shalt  }
0x71: {  	_ =	shalt  }
0x72: {  	_ =	shalt  }
0x73: {  	_ =	shalt  }
0x74: {  	_ =	shalt  }
0x75: {  	_ =	shalt  }
0x76: {  	_ =	shalt  }
0x77: {  	_ =	shalt  }
0x78: {  	_ =	shalt  }
0x79: {  	_ =	shalt  }
0x7a: {  	_ =	shalt  }
0x7b: {  	_ =	shalt  }
0x7c: {  	_ =	shalt  }
0x7d: {  	_ =	shalt  }
0x7e: {  	_ =	shalt  }
0x7f: {  	_ =	shalt  }
0x80: {  	_ =	shalt  }
0x81: {  	_ =	shalt  }
0x82: {  	_ =	shalt  }
0x83: {  	_ =	shalt  }
0x84: {  	_ =	shalt  }
0x85: {  	_ =	shalt  }
0x86: {  	_ =	shalt  }
0x87: {  	_ =	shalt  }
.Lfunc_end0:
.L_simem_size_0:
called_computation_lowered:
.L_overlay_start_0:
0x88: {  	s2 =	sld [smem:$0x3FD9]  }
0x89: {  	s3 =	sld [smem:$0x3FFE];
	_ =	sdelay $0x1  }
0x8a: {  	s1 =	srdreg.scid  }
0x8b: {  	s0 =	sand.u32 $0x1, s1  }
0x8c: {  	s17 =	sshll.u32 s0, $0xA;
	s2 =	sadd.s32 s3, s2  }
0x8d: {  	s2 =	sadd.s32 s2, s17  }
0x8e: {  	[smem:$0x3F94] =	sst s2  }
0x8f: {  	_ = 	snop  }
0x90: {  	(tm) =	ssettm $0x1  }
0x91: {  	s18 =	sld [smem:$0x3FFB];
	_ =	sdelay $0x3  }
0x92: {  	_ =	strace s18  }
0x93: {  	s2 =	sld [smem:$0x3FFC];
	_ =	sdelay $0x3  }
0x94: {  	_ =	strace s2  }
0x95: {  	s2 =	sld [smem:$0x3FFD];
	_ =	sdelay $0x3  }
0x96: {  	_ =	strace s2  }
0x97: {  	_ =	strace $0x8FFFFFFF  }
0x98: {  	s19 =	sld [smem:$0x3FDB];
	_ =	sdelay $0x1  }
0x99: {  	s20 =	simm.s32 $_scs_section_size  }
0x9a: {  	s4 =	simm.s32 $_size__tile_overlayer_lowered;
	s5 =	simm.s32 $_tile_overlayer_lowered  }
0x9b: {  	s6 =	simm.s32 $0x1BFF;
	s21 =	sshll.u32 s5, $0x1;
	s3 =	sadd.s32 s20, s19  }
0x9c: {  	s22 =	simm.s32 $0x0;
	s4 =	sshll.u32 s4, $0x1;
	s5 =	sadd.s32 s21, s3  }
0x9d: {  	[timem:s22], [sflag:s6] =	dma.local [hbm:s5], s4  }
0x9e: {  	_ =	swait.ge [sflag:s6], s4  }
0x9f: {  	s4 =	ssub.s32 $0x0, s4;
	[sflag:s6] =	ssyncset.done $0x0  }
0xa0: {  	[sflag:s6] =	ssyncadd.s32 s4;
	_ =	sdelay $0x1  }
0xa1: {  	s23 =	simm.s32 $0x1B8B  }
0xa2: {  	_ =	swait.ge [sflag:s23], $0x1  }
0xa3: {  	[sflag:s23] =	ssyncset.done $0x0  }
0xa4: {  	[sflag:s23] =	ssyncadd.s32 $0xFFFFFFFF  }
0xa5: {  	s4 =	sld [smem:$0x0]  }
0xa6: {  	s5 =	sand.u32 $0xFFFFFFFE, s1  }
0xa7: {  	p0 =	sne.s32 s1, s5  }
0xa8: {  	s5 =	sshll.u32 @p0 s5, $0xE  }
0xa9: {  	s5 =	sadd.s32 @p0 $0x11B8D, s5;
	s6 =	sshll.u32 @p0 s4, $0x11  }
0xaa: {  	s5 =	sor.u32 @p0 s6, s5  }
0xab: {  	[sflag:s5] =	ssyncadd.remote.s32 @p0 $0x1;
	_ =	sdelay $0x1  }
0xac: {  	s5 =	simm.s32 @p0 $0x1B8D  }
0xad: {  	_ =	swait.eq @p0 [sflag:s5], $0x1  }
0xae: {  	[sflag:s5] =	ssyncadd.s32 @p0 $0xFFFFFFFF  }
0xaf: {  	s6 =	sshll.u32 @!p0 s1, $0xE  }
0xb0: {  	s6 =	sor.u32 @!p0 $0x4000, s6;
	s5 =	simm.s32 @!p0 $0x1B8D  }
0xb1: {  	s4 =	sshll.u32 @!p0 s4, $0x11;
	s6 =	sadd.s32 @!p0 $0x11B8D, s6;
	_ =	swait.eq @!p0 [sflag:s5], $0x1  }
0xb2: {  	s4 =	sor.u32 @!p0 s4, s6;
	[sflag:s5] =	ssyncadd.s32 @!p0 $0xFFFFFFFF  }
0xb3: {  	s25 =	simm.s32 $0x1B8E;
	s24 =	sld [smem:$0x3FFE];
	[sflag:s4] =	ssyncadd.remote.s32 @!p0 $0x1  }
0xb4: {  	s26 =	simm.s32 $execute0_lowered;
	[smem:$0x3FD2] =	sst s25  }
0xb5: {  	s5 =	sshll.u32 s26, $0x1;
	_ =	strace $0x80000049;
	[dreg:$0x1] =	wrdreg $0xFFFFFFFF  }
0xb6: {  	s28 =	simm.s32 $_size_execute0_lowered;
	s3 =	sadd.s32 s3, s5;
	[dreg:$0x0] =	wrdreg $0x0  }
0xb7: {  	s5 =	sshll.u32 s28, $0x1;
	[dreg:$0x2] =	wrdreg s3  }
0xb8: {  	[dreg:$0x3] =	wrdreg s5  }
0xb9: {  	[dreg:$0x4] =	wrdreg $0xC0  }
0xba: {  	_ =	task [dreg:s22], $0x5FFFF  }
0xbb: {  	[dreg:$0x1] =	wrdreg $0xFFFFFFFF  }
0xbc: {  	[dreg:$0x0] =	wrdreg $0x60  }
0xbd: {  	[dreg:$0x2] =	wrdreg s24  }
0xbe: {  	[dreg:$0x3] =	wrdreg $0x9  }
0xbf: {  	_ =	task.clear_ibuf [dreg:s22], $0x4FFFF;
	_ =	strace $0x90000049  }
0xc0: {  	s29 =	simm.s32 $0x9;
	_ =	strace $0x8000004B  }
0xc1: {  	_ =	swait.ge [sflag:s29], $0x1  }
0xc2: {  	[sflag:s29] =	ssyncadd.s32 $0xFFFFFFFF  }
0xc3: {  	_ =	strace $0x9000004B  }
0xc4: {  	_ =	sfence  }
0xc5: {  	s30 =	sld [smem:$0x0];
	_ =	sdelay $0x2  }
0xc6: {  	s31 =	sshll.u32 s1, $0xD;
	s1 =	sshrl.u32 s1, $0x2  }
0xc7: {  	s4 =	sand.u32 $0x4000, s31;
	s1 =	sadd.s32 s1, s30  }
0xc8: {  	s0 =	sor.u32 s4, s0;
	s1 =	sshll.u32 s1, $0x11  }
0xc9: {  	s0 =	sor.u32 s1, s0  }
0xca: {  	s0 =	sadd.s32 $0x8F2B, s0  }
0xcb: {  	[sflag:s0] =	ssyncadd.remote.s32 $0x1  }
0xcc: {  	_ =	sfence.sel $0xFFFF  }
0xcd: {  	[dreg:$0x0] =	wrdreg $0xFFFFFFFF;
	(pc) =	sbr.abs _section_cstart, $3  }
0xce: {  	[dreg:$0x1] =	wrdreg $0xFFFFFFFF  }
0xcf: {  	_ =	task.clear_ibuf [dreg:s22], $0x2FFFF;
	_ =	strace $0x9FFFFFFF  }
0xd0: {  	(tm) =	ssettm $0x7FFFFFFF  }
0xd1: {  	_ =	shalt  }
tec
execute0_lowered:
.L_overlay_start_1:
0x0: {  	(tag) =	ssettag $0x1  }
0x1: {  	s1 =	srdreg.scid  }
0x2: {  	s0 =	stileid.u32;
	s14 =	sand.u32 $0x1, s1  }
0x3: {  	s8 =	rddreg [dreg:$0x0];
	s3 =	sshll.u32 s0, $0xC;
	s4 =	sshll.u32 s14, $0xB  }
0x4: {  	s2 =	simm.s32 $0x0;
	s1 =	rddreg [dreg:$0x1];
	s13 =	sor.u32 s4, s3  }
0x5: {  	[smem:$0x7FF] =	sst s2;
	s15 =	sadd.s32 $0x128200, s8;
	s3 =	sshrl.u32 s13, $0x3  }
0x6: {  	_ =	strace $0x8000004A;
	s4 =	sadd.s32 s15, s3;
	s3 =	simm.s32 $0x2  }
0x7: {  	[tilespmem:s2], [sflag:$0x2] =	stream.linear.gather [hbm4b:s4+s2], $0x200, $0x38;
	[tilespmem:$0x10200] =	vst v63  }
0x8: {  	_ =	swait.ge [sflag:s3], $0x200  }
0x9: {  	s6 =	simm.s32 $0x200;
	[sflag:s3] =	ssyncset.done $0x0  }
0xa: {  	s7 =	simm.s32 $0x1;
	s5 =	sadd.s32 $0x8200, s8;
	[sflag:s3] =	ssyncadd.s32 $0xFFFFFE00  }
0xb: {  	[tilespmem:s6], [sflag:$0x1] =	stream.indirect.gather [hbm4b:s5+s6], $0x80, s2, s6, $0xb8;
	[tilespmem:$0x10200] =	vst v63  }
0xc: {  	_ =	swait.ge [sflag:s7], $0x10000  }
0xd: {  	s16 =	sadd.s32 $0x12A200, s8;
	s29 =	sshll.u32 s13, $0x4;
	[sflag:s7] =	ssyncset.done $0x0  }
0xe: {  	s8 =	sadd.s32 s16, s29;
	[sflag:s7] =	ssyncadd.s32 $0xFFFF0000  }
0xf: {  	[hbm4b:s8+s2] =	stream.linear.scatter [tilespmem:s6], [sflag:$0x2], $0x10000, $0x38;
	[tilespmem:$0x10200] =	vst v63  }
0x10: {  	s10 =	sor.u32 $0x200, s13;
	_ =	swait.ge [sflag:s3], $0x10000  }
0x11: {  	s9 =	sshrl.u32 s10, $0x3;
	[sflag:s3] =	ssyncset.done $0x0  }
0x12: {  	s9 =	sadd.s32 s15, s9;
	[sflag:s3] =	ssyncadd.s32 $0xFFFF0000  }
0x13: {  	[tilespmem:s2], [sflag:$0x2] =	stream.linear.gather [hbm4b:s9+s2], $0x200, $0x38;
	[tilespmem:$0x10200] =	vst v63  }
0x14: {  	_ =	swait.ge [sflag:s3], $0x200  }
0x15: {  	[sflag:s3] =	ssyncset.done $0x0  }
0x16: {  	[sflag:s3] =	ssyncadd.s32 $0xFFFFFE00  }
0x17: {  	[tilespmem:s6], [sflag:$0x1] =	stream.indirect.gather [hbm4b:s5+s6], $0x80, s2, s6, $0xb8;
	[tilespmem:$0x10200] =	vst v63  }
0x18: {  	_ =	swait.ge [sflag:s7], $0x10000  }
0x19: {  	s10 =	sshll.u32 s10, $0x4;
	[sflag:s7] =	ssyncset.done $0x0  }
0x1a: {  	s10 =	sadd.s32 s16, s10;
	[sflag:s7] =	ssyncadd.s32 $0xFFFF0000  }
0x1b: {  	[hbm4b:s10+s2] =	stream.linear.scatter [tilespmem:s6], [sflag:$0x2], $0x10000, $0x38;
	[tilespmem:$0x10200] =	vst v63  }
0x1c: {  	s12 =	sor.u32 $0x400, s13;
	_ =	swait.ge [sflag:s3], $0x10000  }
0x1d: {  	s11 =	sshrl.u32 s12, $0x3;
	[sflag:s3] =	ssyncset.done $0x0  }
0x1e: {  	s11 =	sadd.s32 s15, s11;
	[sflag:s3] =	ssyncadd.s32 $0xFFFF0000  }
0x1f: {  	[tilespmem:s2], [sflag:$0x2] =	stream.linear.gather [hbm4b:s11+s2], $0x200, $0x38;
	[tilespmem:$0x10200] =	vst v63  }
0x20: {  	_ =	swait.ge [sflag:s3], $0x200  }
0x21: {  	[sflag:s3] =	ssyncset.done $0x0  }
0x22: {  	[sflag:s3] =	ssyncadd.s32 $0xFFFFFE00  }
0x23: {  	[tilespmem:s6], [sflag:$0x1] =	stream.indirect.gather [hbm4b:s5+s6], $0x80, s2, s6, $0xb8;
	[tilespmem:$0x10200] =	vst v63  }
0x24: {  	_ =	swait.ge [sflag:s7], $0x10000  }
0x25: {  	s12 =	sshll.u32 s12, $0x4;
	[sflag:s7] =	ssyncset.done $0x0  }
0x26: {  	s12 =	sadd.s32 s16, s12;
	[sflag:s7] =	ssyncadd.s32 $0xFFFF0000  }
0x27: {  	[hbm4b:s12+s2] =	stream.linear.scatter [tilespmem:s6], [sflag:$0x2], $0x10000, $0x38;
	[tilespmem:$0x10200] =	vst v63  }
0x28: {  	s17 =	sor.u32 $0x600, s13;
	_ =	swait.ge [sflag:s3], $0x10000  }
0x29: {  	s13 =	sshrl.u32 s17, $0x3;
	[sflag:s3] =	ssyncset.done $0x0  }
0x2a: {  	s14 =	ssub.s32 $0x2, s14;
	s13 =	sadd.s32 s15, s13;
	[sflag:s3] =	ssyncadd.s32 $0xFFFF0000  }
0x2b: {  	[tilespmem:s2], [sflag:$0x2] =	stream.linear.gather [hbm4b:s13+s2], $0x200, $0x38;
	[tilespmem:$0x10200] =	vst v63  }
0x2c: {  	s30 =	sshrl.u32 s14, $0x1;
	_ =	swait.ge [sflag:s3], $0x200  }
0x2d: {  	s15 =	ssub.s32 s14, s30;
	[sflag:s3] =	ssyncset.done $0x0  }
0x2e: {  	s15 =	smax.u32 s15, $0x1;
	[sflag:s3] =	ssyncadd.s32 $0xFFFFFE00  }
0x2f: {  	[tilespmem:s6], [sflag:$0x1] =	stream.indirect.gather [hbm4b:s5+s6], $0x80, s2, s6, $0xb8;
	[tilespmem:$0x10200] =	vst v63  }
0x30: {  	p0 =	sne.s32 s15, $0x1;
	_ =	swait.ge [sflag:s7], $0x10000  }
.Ltmp0:
0x31: {  	s31 =	sshll.u32 s17, $0x4;
	[sflag:s7] =	ssyncset.done $0x0;
	(pc) =	sbr.rel @!p0 .LBB2_2-.Ltmp0, $4  }
0x32: {  	s14 =	sadd.s32 s16, s31;
	[sflag:s7] =	ssyncadd.s32 $0xFFFF0000  }
0x33: {  	[hbm4b:s14+s2] =	stream.linear.scatter [tilespmem:s6], [sflag:$0x2], $0x10000, $0x38;
	[tilespmem:$0x10200] =	vst v63  }
0x34: {  	_ =	swait.ge [sflag:s3], $0x10000  }
0x35: {  	s15 =	sadd.s32 $0xFFFFFFFF, s15;
	[sflag:s3] =	ssyncset.done $0x0  }
.LBB2_1:
0x36: {  	p0 =	sne.s32 s15, $0x1;
	s15 =	sadd.s32 $0xFFFFFFFF, s15;
	[sflag:s3] =	ssyncadd.s32 $0xFFFF0000  }
0x37: {  	[tilespmem:s2], [sflag:$0x2] =	stream.linear.gather [hbm4b:s4+s2], $0x200, $0x38;
	[tilespmem:$0x10200] =	vst v63  }
0x38: {  	_ =	swait.ge [sflag:s3], $0x200  }
0x39: {  	[sflag:s3] =	ssyncset.done $0x0  }
0x3a: {  	[sflag:s3] =	ssyncadd.s32 $0xFFFFFE00  }
0x3b: {  	[tilespmem:s6], [sflag:$0x1] =	stream.indirect.gather [hbm4b:s5+s6], $0x80, s2, s6, $0xb8;
	[tilespmem:$0x10200] =	vst v63  }
0x3c: {  	_ =	swait.ge [sflag:s7], $0x10000  }
0x3d: {  	[sflag:s7] =	ssyncset.done $0x0  }
0x3e: {  	[sflag:s7] =	ssyncadd.s32 $0xFFFF0000  }
0x3f: {  	[hbm4b:s8+s2] =	stream.linear.scatter [tilespmem:s6], [sflag:$0x2], $0x10000, $0x38;
	[tilespmem:$0x10200] =	vst v63  }
0x40: {  	_ =	swait.ge [sflag:s3], $0x10000  }
0x41: {  	[sflag:s3] =	ssyncset.done $0x0  }
0x42: {  	[sflag:s3] =	ssyncadd.s32 $0xFFFF0000  }
0x43: {  	[tilespmem:s2], [sflag:$0x2] =	stream.linear.gather [hbm4b:s9+s2], $0x200, $0x38;
	[tilespmem:$0x10200] =	vst v63  }
0x44: {  	_ =	swait.ge [sflag:s3], $0x200  }
0x45: {  	[sflag:s3] =	ssyncset.done $0x0  }
0x46: {  	[sflag:s3] =	ssyncadd.s32 $0xFFFFFE00  }
0x47: {  	[tilespmem:s6], [sflag:$0x1] =	stream.indirect.gather [hbm4b:s5+s6], $0x80, s2, s6, $0xb8;
	[tilespmem:$0x10200] =	vst v63  }
0x48: {  	_ =	swait.ge [sflag:s7], $0x10000  }
0x49: {  	[sflag:s7] =	ssyncset.done $0x0  }
0x4a: {  	[sflag:s7] =	ssyncadd.s32 $0xFFFF0000  }
0x4b: {  	[hbm4b:s10+s2] =	stream.linear.scatter [tilespmem:s6], [sflag:$0x2], $0x10000, $0x38;
	[tilespmem:$0x10200] =	vst v63  }
0x4c: {  	_ =	swait.ge [sflag:s3], $0x10000  }
0x4d: {  	[sflag:s3] =	ssyncset.done $0x0  }
0x4e: {  	[sflag:s3] =	ssyncadd.s32 $0xFFFF0000  }
0x4f: {  	[tilespmem:s2], [sflag:$0x2] =	stream.linear.gather [hbm4b:s11+s2], $0x200, $0x38;
	[tilespmem:$0x10200] =	vst v63  }
0x50: {  	_ =	swait.ge [sflag:s3], $0x200  }
0x51: {  	[sflag:s3] =	ssyncset.done $0x0  }
0x52: {  	[sflag:s3] =	ssyncadd.s32 $0xFFFFFE00  }
0x53: {  	[tilespmem:s6], [sflag:$0x1] =	stream.indirect.gather [hbm4b:s5+s6], $0x80, s2, s6, $0xb8;
	[tilespmem:$0x10200] =	vst v63  }
0x54: {  	_ =	swait.ge [sflag:s7], $0x10000  }
0x55: {  	[sflag:s7] =	ssyncset.done $0x0  }
0x56: {  	[sflag:s7] =	ssyncadd.s32 $0xFFFF0000  }
0x57: {  	[hbm4b:s12+s2] =	stream.linear.scatter [tilespmem:s6], [sflag:$0x2], $0x10000, $0x38;
	[tilespmem:$0x10200] =	vst v63  }
0x58: {  	_ =	swait.ge [sflag:s3], $0x10000  }
0x59: {  	[sflag:s3] =	ssyncset.done $0x0  }
0x5a: {  	[sflag:s3] =	ssyncadd.s32 $0xFFFF0000  }
0x5b: {  	[tilespmem:s2], [sflag:$0x2] =	stream.linear.gather [hbm4b:s13+s2], $0x200, $0x38;
	[tilespmem:$0x10200] =	vst v63  }
0x5c: {  	_ =	swait.ge [sflag:s3], $0x200  }
0x5d: {  	[sflag:s3] =	ssyncset.done $0x0  }
0x5e: {  	[sflag:s3] =	ssyncadd.s32 $0xFFFFFE00  }
0x5f: {  	[tilespmem:s6], [sflag:$0x1] =	stream.indirect.gather [hbm4b:s5+s6], $0x80, s2, s6, $0xb8;
	[tilespmem:$0x10200] =	vst v63  }
0x60: {  	_ =	swait.ge [sflag:s7], $0x10000  }
.Ltmp1:
0x61: {  	[sflag:s7] =	ssyncset.done $0x0;
	(pc) =	sbr.rel @p0 .LBB2_1-.Ltmp1, $4  }
0x62: {  	[sflag:s7] =	ssyncadd.s32 $0xFFFF0000  }
0x63: {  	[hbm4b:s14+s2] =	stream.linear.scatter [tilespmem:s6], [sflag:$0x2], $0x10000, $0x38;
	[tilespmem:$0x10200] =	vst v63  }
0x64: {  	_ =	swait.ge [sflag:s3], $0x10000  }
0x65: {  	[sflag:s3] =	ssyncset.done $0x0  }
.LBB2_2:
0x66: {  	[sflag:s3] =	ssyncadd.s32 $0xFFFF0000  }
0x67: {  	_ =	sfence.sel $0x180000  }
0x68: {  	[bflag:$0x0] =	sbarrier.arrive $0xFFFF  }
0x69: {  	p0 =	sne.s32 s0, $0x0;
	_ =	strace $0x9000004A  }
0x6a: {  	s0 =	sadd.s32 @!p0 $0x100000, s1;
	[bflag:$0x2] =	sbarrier.arrive $0xFFFF  }
0x6b: {  	[sflag:s0] =	ssyncadd.tile.s32 @!p0 $0x1;
	_ =	shalt  }
.Lfunc_end2:
_tile_overlayer_lowered:
.L_overlay_start_2:
0x6c: {  	(tag) =	ssettag $0x2  }
0x6d: {  	s0 =	rddreg [dreg:$0x0];
	s2 =	stileid.u32  }
0x6e: {  	s1 =	rddreg [dreg:$0x1];
	p0 =	sne.s32 s2, $0x0  }
0x6f: {  	s3 =	rddreg [dreg:$0x2];
	[bflag:$0x3] =	sbarrier.arrive $0xFFFF;
	s2 =	simm.s32 @!p0 $0x1C02  }
0x70: {  	[timem:s3], [sflag:s2] =	dma.local @!p0 [hbm:s0], s1  }
0x71: {  	s0 =	simm.s32 @!p0 $0x2  }
0x72: {  	_ =	swait.ge @!p0 [sflag:s0], s1  }
0x73: {  	s1 =	ssub.s32 @!p0 $0x0, s1;
	[sflag:s0] =	ssyncset.done @!p0 $0x0  }
0x74: {  	[sflag:s0] =	ssyncadd.s32 @!p0 s1  }
0x75: {  	[bflag:$0x3] =	sbarrier.arrive $0xFFFF  }
0x76: {  	_ =	shalt  }

</sc_bundles>
